<compile_context>
chip_gen: v7x
topology: tpu7x:2x2x1
jax: 0.10.2.dev20260603
libtpu: 0.0.44.dev20260713+nightly
codegen_flags: <defaults>
</compile_context>

<pallas_src>
import functools

import jax
import jax.numpy as jnp
from jax import lax
from jax.experimental import pallas as pl
from jax.experimental.pallas import tpu as pltpu
from jax.experimental.pallas import tpu_sc as plsc

N = 10000
E = 320000
D1 = 64
D2 = 128
OUT = 16
F_NUM = 2

NC = 2
NS = 16
NW = NC * NS
EPW = E // NW
CHUNK = 80
NCHUNK = EPW // CHUNK
RSTRIPE = 624
ZROWS = 16

@functools.cache
def _sc_mesh():
    return plsc.VectorSubcoreMesh(
        core_axis_name="c", subcore_axis_name="s", num_cores=NC, num_subcores=NS
    )


def _zero_vmem(ref, nrows, ncols):
    lanes = ncols // 16

    def body(i, _):
        r = i // lanes
        k = i % lanes
        ref[r, pl.ds(k * 16, 16)] = jnp.zeros((16,), jnp.float32)
        return 0

    lax.fori_loop(0, nrows * lanes, body, 0)


GRP = 1
NGRP = NCHUNK // GRP



@functools.cache
def _sc_degree_kernel():
    return functools.partial(
        pl.kernel,
        out_type=jax.ShapeDtypeStruct((NC, N, D2), jnp.float32),
        mesh=_sc_mesh(),
        scratch_types=[
            pltpu.VMEM((NCHUNK, CHUNK), jnp.int32),
            pltpu.VMEM((CHUNK, D2), jnp.float32),
            pltpu.VMEM_SHARED((N, D2), jnp.float32),
        ],
    )(_sc_degree_body)


def _sc_degree(dst2):
    return _sc_degree_kernel()(dst2)


def _sc_degree_body(dst_hbm, deg_hbm, didx, ones_v, acc):
    cid = lax.axis_index("c")
    sid = lax.axis_index("s")
    wid = sid * NC + cid

    def fill(val):
        def body(i, _):
            r = i // (D2 // 16)
            k = i % (D2 // 16)
            ones_v[r, pl.ds(k * 16, 16)] = jnp.full((16,), val, jnp.float32)
            return 0

        lax.fori_loop(0, CHUNK * (D2 // 16), body, 0)

    def zero_stripe(t, _):
        pltpu.sync_copy(
            ones_v.at[pl.ds(0, ZROWS)],
            acc.at[pl.ds(sid * RSTRIPE + t * ZROWS, ZROWS)],
        )
        return 0

    fill(0.0)
    lax.fori_loop(0, RSTRIPE // ZROWS, zero_stripe, 0)

    @pl.when(sid == NS - 1)
    def _():
        lax.fori_loop(RSTRIPE // ZROWS, RSTRIPE // ZROWS + 1, zero_stripe, 0)

    fill(1.0)
    pltpu.sync_copy(dst_hbm.at[wid], didx)
    plsc.subcore_barrier()

    def chunk(j, _):
        pltpu.sync_copy(ones_v, acc.at[didx.at[j]], add=True)
        return 0

    lax.fori_loop(0, NCHUNK, chunk, 0)
    plsc.subcore_barrier()

    row0 = sid * RSTRIPE
    pltpu.sync_copy(
        acc.at[pl.ds(row0, RSTRIPE)],
        deg_hbm.at[cid, pl.ds(row0, RSTRIPE)],
    )

    @pl.when(sid == NS - 1)
    def _():
        pltpu.sync_copy(
            acc.at[pl.ds(NS * RSTRIPE, N - NS * RSTRIPE)],
            deg_hbm.at[cid, pl.ds(NS * RSTRIPE, N - NS * RSTRIPE)],
        )


@functools.cache
def _make_sc_aggregate(D):
    @functools.partial(
        pl.kernel,
        out_type=jax.ShapeDtypeStruct((NC, N, D), jnp.float32),
        mesh=_sc_mesh(),
        scratch_types=[
            pltpu.VMEM((EPW,), jnp.int32),
            pltpu.VMEM((NCHUNK, CHUNK), jnp.int32),
            pltpu.VMEM((2, CHUNK, D), jnp.float32),
            pltpu.VMEM_SHARED((N, D), jnp.float32),
            pltpu.SemaphoreType.DMA,
        ],
    )
    def agg(y_hbm, src_hbm, dst_hbm, out_hbm, sidx, didx, rows, acc, sem):
        cid = lax.axis_index("c")
        sid = lax.axis_index("s")
        wid = sid * NC + cid

        _zero_vmem(rows.at[0], ZROWS, D)

        def zero_stripe(t, _):
            pltpu.sync_copy(
                rows.at[0, pl.ds(0, ZROWS)],
                acc.at[pl.ds(sid * RSTRIPE + t * ZROWS, ZROWS)],
            )
            return 0

        lax.fori_loop(0, RSTRIPE // ZROWS, zero_stripe, 0)

        @pl.when(sid == NS - 1)
        def _():
            lax.fori_loop(RSTRIPE // ZROWS, RSTRIPE // ZROWS + 1, zero_stripe, 0)

        pltpu.sync_copy(src_hbm.at[pl.ds(wid * EPW, EPW)], sidx)
        pltpu.sync_copy(dst_hbm.at[wid], didx)
        plsc.subcore_barrier()

        pltpu.async_copy(y_hbm.at[sidx.at[pl.ds(0, CHUNK)]], rows.at[0], sem)

        def chunk(j, _):
            cur = lax.rem(j, 2)
            pltpu.make_async_copy(
                y_hbm.at[sidx.at[pl.ds(j * CHUNK, CHUNK)]], rows.at[cur], sem
            ).wait()

            @pl.when(j + 1 < NCHUNK)
            def _():
                pltpu.async_copy(
                    y_hbm.at[sidx.at[pl.ds((j + 1) * CHUNK, CHUNK)]], rows.at[1 - cur], sem
                )

            pltpu.sync_copy(rows.at[cur], acc.at[didx.at[j]], add=True)
            return 0

        lax.fori_loop(0, NCHUNK, chunk, 0)
        plsc.subcore_barrier()

        row0 = sid * RSTRIPE
        pltpu.sync_copy(
            acc.at[pl.ds(row0, RSTRIPE)],
            out_hbm.at[cid, pl.ds(row0, RSTRIPE)],
        )

        @pl.when(sid == NS - 1)
        def _():
            pltpu.sync_copy(
                acc.at[pl.ds(NS * RSTRIPE, N - NS * RSTRIPE)],
                out_hbm.at[cid, pl.ds(NS * RSTRIPE, N - NS * RSTRIPE)],
            )

    return agg


def _sc_agg128(y, src4, dst4):
    return _make_sc_aggregate(D2)(y, src4, dst4)



P = 2000
NB = N // P


def _scale1_body(x_ref, w1_ref, dp_ref, y1_ref, dinv_ref):
    deg = dp_ref[0, :, 0:1] + dp_ref[1, :, 0:1] + 1.0
    dinv = 1.0 / jnp.sqrt(deg)
    xw = jnp.dot(x_ref[...], w1_ref[...], preferred_element_type=jnp.float32)
    y1_ref[:, :D1] = xw * dinv
    y1_ref[:, D1:] = jnp.zeros((P, D2 - D1), jnp.float32)
    dinv_ref[...] = dinv


def _tc_scale1(x, W1, degp):
    return pl.pallas_call(
        _scale1_body,
        grid=(NB,),
        in_specs=[
            pl.BlockSpec((P, D2), lambda i: (i, 0)),
            pl.BlockSpec((D2, D1), lambda i: (0, 0)),
            pl.BlockSpec((NC, P, D2), lambda i: (0, i, 0)),
        ],
        out_specs=[
            pl.BlockSpec((P, D2), lambda i: (i, 0)),
            pl.BlockSpec((P, 1), lambda i: (i, 0)),
        ],
        out_shape=[
            jax.ShapeDtypeStruct((N, D2), jnp.float32),
            jax.ShapeDtypeStruct((N, 1), jnp.float32),
        ],
    )(x, W1, degp)


def _layer2_body(q_ref, y1_ref, dinv_ref, w2_ref, b1_ref, y2_ref):
    dinv = dinv_ref[...]
    s = q_ref[0, :, :D1] + q_ref[1, :, :D1] + y1_ref[:, :D1]
    h1 = jnp.maximum(dinv * s + b1_ref[...], 0.0)
    xw2 = jnp.dot(h1, w2_ref[...], preferred_element_type=jnp.float32)
    y2_ref[...] = xw2 * dinv


def _tc_layer2(accp1, y1, dinv, W2, b1):
    return pl.pallas_call(
        _layer2_body,
        grid=(NB,),
        in_specs=[
            pl.BlockSpec((NC, P, D2), lambda i: (0, i, 0)),
            pl.BlockSpec((P, D2), lambda i: (i, 0)),
            pl.BlockSpec((P, 1), lambda i: (i, 0)),
            pl.BlockSpec((D1, D2), lambda i: (0, 0)),
            pl.BlockSpec((1, D1), lambda i: (0, 0)),
        ],
        out_specs=pl.BlockSpec((P, D2), lambda i: (i, 0)),
        out_shape=jax.ShapeDtypeStruct((N, D2), jnp.float32),
    )(accp1, y1, dinv, W2, b1)


def _h2_body(r_ref, y2_ref, dinv_ref, b2_ref, h2_ref):
    h2_ref[...] = jnp.maximum(
        dinv_ref[...] * (r_ref[0] + r_ref[1] + y2_ref[...]) + b2_ref[...], 0.0
    )


def _tc_h2(accp2, y2, dinv, b2):
    return pl.pallas_call(
        _h2_body,
        grid=(NB,),
        in_specs=[
            pl.BlockSpec((NC, P, D2), lambda i: (0, i, 0)),
            pl.BlockSpec((P, D2), lambda i: (i, 0)),
            pl.BlockSpec((P, 1), lambda i: (i, 0)),
            pl.BlockSpec((1, D2), lambda i: (0, 0)),
        ],
        out_specs=pl.BlockSpec((P, D2), lambda i: (i, 0)),
        out_shape=jax.ShapeDtypeStruct((N, D2), jnp.float32),
    )(accp2, y2, dinv, b2)


def _conv_body(prev_ref, cur_ref, nxt_ref, a0_ref, a1_ref, a2_ref, bt_ref,
               vt_ref, deltas_ref):
    i = pl.program_id(0)
    cur = cur_ref[...]
    sh_l = jnp.concatenate([prev_ref[P - 1:P, :], cur[: P - 1, :]], axis=0)
    sh_r = jnp.concatenate([cur[1:, :], nxt_ref[0:1, :]], axis=0)
    conv = (
        jnp.dot(sh_l, a0_ref[...], preferred_element_type=jnp.float32)
        + jnp.dot(cur, a1_ref[...], preferred_element_type=jnp.float32)
        + jnp.dot(sh_r, a2_ref[...], preferred_element_type=jnp.float32)
    )
    v = jnp.maximum(conv + bt_ref[...], 0.0)
    vt_ref[0, :, 0, :] = v.T

    @pl.when(i == 0)
    def _():
        wrap = jnp.dot(prev_ref[P - 1:P, :], a0_ref[...],
                       preferred_element_type=jnp.float32)
        v0a = jnp.maximum(conv[0:1, :] + bt_ref[...] - wrap, 0.0)
        deltas_ref[0:1, :] = v0a - v[0:1, :]

    @pl.when(i == NB - 1)
    def _():
        wrap = jnp.dot(nxt_ref[0:1, :], a2_ref[...],
                       preferred_element_type=jnp.float32)
        vLb = jnp.maximum(conv[P - 1:P, :] + bt_ref[...] - wrap, 0.0)
        deltas_ref[1:2, :] = vLb - v[P - 1:P, :]


def _tc_conv(h2, A0, A1, A2, bt):
    return pl.pallas_call(
        _conv_body,
        grid=(NB,),
        in_specs=[
            pl.BlockSpec((P, D2), lambda i: ((i + NB - 1) % NB, 0)),
            pl.BlockSpec((P, D2), lambda i: (i, 0)),
            pl.BlockSpec((P, D2), lambda i: ((i + 1) % NB, 0)),
            pl.BlockSpec((D2, D2), lambda i: (0, 0)),
            pl.BlockSpec((D2, D2), lambda i: (0, 0)),
            pl.BlockSpec((D2, D2), lambda i: (0, 0)),
            pl.BlockSpec((1, D2), lambda i: (0, 0)),
        ],
        out_specs=[
            pl.BlockSpec((1, D2, 1, P), lambda i: (i, 0, 0, 0)),
            pl.BlockSpec((2, D2), lambda i: (0, 0)),
        ],
        out_shape=[
            jax.ShapeDtypeStruct((NB, D2, 1, P), jnp.float32),
            jax.ShapeDtypeStruct((2, D2), jnp.float32),
        ],
    )(h2, h2, h2, A0, A1, A2, bt)


def _fc_body(vt_ref, wf_ref, dblk_ref, bfc_ref, o_ref):
    c = pl.program_id(0)
    i = pl.program_id(1)
    vrow = vt_ref[0, 0]
    wa = wf_ref[0, 0]
    wb = wf_ref[0, 1]
    contrib = jnp.dot(vrow, wa + wb, preferred_element_type=jnp.float32)
    d0 = jnp.where(i == 0, dblk_ref[0, c], 0.0)
    dL = jnp.where(i == NB - 1, dblk_ref[1, c], 0.0)
    contrib += d0 * wf_ref[0, 0, 0:1, :] + dL * wf_ref[0, 1, P - 1:P, :]
    first = jnp.logical_and(c == 0, i == 0)

    @pl.when(first)
    def _():
        o_ref[...] = bfc_ref[...] + contrib

    @pl.when(jnp.logical_not(first))
    def _():
        o_ref[...] += contrib


def _tc_fc(v2t4, deltas, Wfc4, bfc):
    return pl.pallas_call(
        _fc_body,
        grid=(D2, NB),
        in_specs=[
            pl.BlockSpec((1, 1, 1, P), lambda c, i: (i, c, 0, 0)),
            pl.BlockSpec((1, 2, P, OUT), lambda c, i: (c, 0, i, 0)),
            pl.BlockSpec(memory_space=pltpu.SMEM),
            pl.BlockSpec((1, OUT), lambda c, i: (0, 0)),
        ],
        out_specs=pl.BlockSpec((1, OUT), lambda c, i: (0, 0)),
        out_shape=jax.ShapeDtypeStruct((1, OUT), jnp.float32),
    )(v2t4, Wfc4, deltas, bfc)


def kernel(x, edge_index, W1, b1, W2, b2, Wt, bt, Wfc, bfc):
    src1 = edge_index[0]
    dst2 = edge_index[1].reshape(NW, NCHUNK, CHUNK)

    degp = _sc_degree(dst2)
    y1, dinv = _tc_scale1(x, W1, degp)
    accp1 = _sc_agg128(y1, src1, dst2)
    y2 = _tc_layer2(accp1, y1, dinv, W2, b1.reshape(1, D1))
    accp2 = _sc_agg128(y2, src1, dst2)
    h2 = _tc_h2(accp2, y2, dinv, b2.reshape(1, D2))

    A0 = Wt[:, :, 0, 0].T
    A1 = Wt[:, :, 1, 0].T
    A2 = Wt[:, :, 2, 0].T
    v2t, deltas = _tc_conv(h2, A0, A1, A2, bt.reshape(1, D2))
    out = _tc_fc(v2t, deltas, Wfc.reshape(D2, F_NUM, N, OUT),
                 bfc.reshape(1, OUT))
    return out

# --- scband reference (transcript-rebuilt; emitter-appended) ---
"""Pipeline reference for scband-stgcn-48223892799566 (READ-ONLY COPY).

The authoritative reference and input builder live on the scoring server;
editing this copy changes nothing except your own understanding.
"""

import jax, jax.numpy as jnp
import numpy as np

N = 10000
E = 320000
D_IN = 128
F_NUM = 2
OUT = 16


def setup_inputs(seed: int = 0) -> dict:
    key = jax.random.key(seed)
    ks = jax.random.split(key, 12)
    x = jax.random.normal(ks[0], (N, D_IN), dtype=jnp.float32)
    edge_index = jax.random.randint(ks[1], (2, E), 0, N, dtype=jnp.int32)
    W1 = jax.random.normal(ks[2], (D_IN, 64), dtype=jnp.float32) * 0.05
    b1 = jnp.zeros((64,), dtype=jnp.float32)
    W2 = jax.random.normal(ks[3], (64, 128), dtype=jnp.float32) * 0.05
    b2 = jnp.zeros((128,), dtype=jnp.float32)
    Wt = jax.random.normal(ks[4], (128, 128, 3, 1), dtype=jnp.float32) * 0.05
    bt = jnp.zeros((128,), dtype=jnp.float32)
    Wfc = jax.random.normal(ks[5], (128 * F_NUM * N, OUT), dtype=jnp.float32) * 0.01
    bfc = jnp.zeros((OUT,), dtype=jnp.float32)
    return {"x": x, "edge_index": edge_index, "W1": W1, "b1": b1, "W2": W2, "b2": b2,
            "Wt": Wt, "bt": bt, "Wfc": Wfc, "bfc": bfc}


def gcn_conv(x, edge_index, W, b):
    # PyG GCNConv: linear first, then symmetric-normalized aggregation with self-loops
    x = x @ W
    n = x.shape[0]
    src = edge_index[0]
    dst = edge_index[1]
    loop = jnp.arange(n, dtype=src.dtype)
    src = jnp.concatenate([src, loop])
    dst = jnp.concatenate([dst, loop])
    deg = jax.ops.segment_sum(jnp.ones_like(src, dtype=x.dtype), dst, num_segments=n)
    dinv = jnp.where(deg > 0, 1.0 / jnp.sqrt(deg), 0.0)
    norm = dinv[src] * dinv[dst]
    msg = x[src] * norm[:, None]
    out = jax.ops.segment_sum(msg, dst, num_segments=n)
    return out + b


def reference(x, edge_index, W1, b1, W2, b2, Wt, bt, Wfc, bfc):
    h = jax.nn.relu(gcn_conv(x, edge_index, W1, b1))
    h = jax.nn.relu(gcn_conv(h, edge_index, W2, b2))
    h = h[None]                      # [1, N, 128]
    h = jnp.transpose(h, (0, 2, 1))  # [1, 128, N]
    h = jnp.tile(h, (1, 1, F_NUM))   # [1, 128, N*F]
    h = h[..., None]                 # [1, 128, N*F, 1]
    h = jax.lax.conv_general_dilated(
        h, Wt, window_strides=(1, 1), padding=((1, 1), (0, 0)),
        dimension_numbers=("NCHW", "OIHW", "NCHW"))
    h = jax.nn.relu(h + bt[None, :, None, None])
    h = h.reshape(1, -1)             # [1, 128*N*F]
    return h @ Wfc + bfc

if __name__ == "__main__":
    import jax
    _d = setup_inputs()
    print(jax.jit(kernel)(*tuple(_d.values())))

</pallas_src>

<mosaic_0001>
#map = affine_map<(d0, d1) -> (0, 0)>
#map1 = affine_map<(d0, d1) -> (0)>
#map2 = affine_map<(d0, d1) -> (0, 0, 0)>
module attributes {stable_mosaic.version = 14 : i64} {
  func.func @agg(%arg0: i32, %arg1: i32, %arg2: memref<10000x128xf32, #tpu.memory_space<hbm>>, %arg3: memref<320000xi32, #tpu.memory_space<hbm>>, %arg4: memref<32x125x80xi32, #tpu.memory_space<hbm>>, %arg5: memref<2x10000x128xf32, #tpu.memory_space<hbm>>, %arg6: memref<10000xi32, #tpu.memory_space<vmem>>, %arg7: memref<125x80xi32, #tpu.memory_space<vmem>>, %arg8: memref<2x80x128xf32, #tpu.memory_space<vmem>>, %arg9: memref<10000x128xf32, #tpu.memory_space<vmem_shared>>, %arg10: memref<!tpu.dma_semaphore, #tpu.memory_space<semaphore_mem>>) attributes {dimension_semantics = [#tpu.dimension_semantics<core_parallel>, #tpu.dimension_semantics<subcore_parallel>], iteration_bounds = array<i64: 2, 16>, scalar_prefetch = 0 : i64, scratch_operands = 5 : i64, tpu.core_type = #tpu.core_type<sc_vector_subcore>, window_params = [{transform_indices = #map}, {transform_indices = #map1}, {transform_indices = #map2}, {transform_indices = #map2}]} {
    %mul3A = arith.constant 2 : i32
    %mul3A_0 = arith.muli %arg1, %mul3A : i32
    %add3A = arith.addi %mul3A_0, %arg0 : i32
    %scan3A = arith.constant 0 : i32
    %scan3A_1 = arith.constant 0 : i32
    %scan3A_2 = arith.constant 0 : i32
    %scan3A_3 = arith.constant 128 : i32
    %scan3A_4 = arith.addi %scan3A_2, %scan3A_3 : i32
    %scan3A_5 = arith.constant 1 : i32
    %scan3A_6 = scf.for %scan3A_43 = %scan3A_2 to %scan3A_4 step %scan3A_5 iter_args(%scan3A_44 = %scan3A_1) -> (i32)  : i32 {
      %jit3A = arith.constant 8 : i32
      %div3A = arith.divsi %scan3A_43, %jit3A : i32
      %sign3A = arith.constant 0 : i32
      %sign3A_45 = arith.cmpi sgt, %scan3A_43, %sign3A : i32
      %sign3A_46 = arith.extui %sign3A_45 : i1 to i32
      %sign3A_47 = arith.constant 0 : i32
      %sign3A_48 = arith.cmpi slt, %scan3A_43, %sign3A_47 : i32
      %sign3A_49 = arith.extui %sign3A_48 : i1 to i32
      %sign3A_50 = arith.subi %sign3A_46, %sign3A_49 : i32
      %sign3A_51 = arith.constant 0 : i32
      %sign3A_52 = arith.cmpi sgt, %jit3A, %sign3A_51 : i32
      %sign3A_53 = arith.extui %sign3A_52 : i1 to i32
      %sign3A_54 = arith.constant 0 : i32
      %sign3A_55 = arith.cmpi slt, %jit3A, %sign3A_54 : i32
      %sign3A_56 = arith.extui %sign3A_55 : i1 to i32
      %sign3A_57 = arith.subi %sign3A_53, %sign3A_56 : i32
      %ne3A = arith.cmpi ne, %sign3A_50, %sign3A_57 : i32
      %rem3A = arith.remsi %scan3A_43, %jit3A : i32
      %ne3A_58 = arith.constant 0 : i32
      %ne3A_59 = arith.cmpi ne, %rem3A, %ne3A_58 : i32
      %and3A = arith.andi %ne3A, %ne3A_59 : i1
      %sub3A = arith.constant 1 : i32
      %sub3A_60 = arith.subi %div3A, %sub3A : i32
      %select_n3A = arith.select %and3A, %sub3A_60, %div3A : i32
      %jit3A_61 = arith.constant 8 : i32
      %eq3A_62 = arith.constant 0 : i32
      %eq3A_63 = arith.cmpi eq, %jit3A_61, %eq3A_62 : i32
      %jit3A_64 = arith.constant 1 : i32
      %select_n3A_65 = arith.select %eq3A_63, %jit3A_64, %jit3A_61 : i32
      %rem3A_66 = arith.remsi %scan3A_43, %select_n3A_65 : i32
      %ne3A_67 = arith.constant 0 : i32
      %ne3A_68 = arith.cmpi ne, %rem3A_66, %ne3A_67 : i32
      %lt3A = arith.constant 0 : i32
      %lt3A_69 = arith.cmpi slt, %rem3A_66, %lt3A : i32
      %lt3A_70 = arith.constant 0 : i32
      %lt3A_71 = arith.cmpi slt, %select_n3A_65, %lt3A_70 : i32
      %ne3A_72 = arith.xori %lt3A_69, %lt3A_71 : i1
      %and3A_73 = arith.andi %ne3A_72, %ne3A_68 : i1
      %add3A_74 = arith.addi %rem3A_66, %select_n3A_65 : i32
      %select_n3A_75 = arith.select %and3A_73, %add3A_74, %rem3A_66 : i32
      %broadcast_in_dim3A = arith.constant 0.000000e+00 : f32
      %broadcast_in_dim3A_76 = vector.broadcast %broadcast_in_dim3A : f32 to vector<16xf32>
      %mul3A_77 = arith.constant 16 : i32
      %mul3A_78 = arith.muli %select_n3A_75, %mul3A_77 : i32
      %swap3A = arith.constant 0 : i32
      %swap3A_79 = arith.constant 0 : i32
      %swap3A_80 = tpu.memref_slice %arg8[%scan3A, %swap3A, %swap3A_79] : memref<2x80x128xf32, #tpu.memory_space<vmem>> -> memref<1x80x128xf32, #tpu.memory_space<vmem>>
      %swap3A_81 = tpu.memref_squeeze %swap3A_80 : memref<1x80x128xf32, #tpu.memory_space<vmem>> -> memref<80x128xf32, #tpu.memory_space<vmem>>
      %swap3A_82 = arith.index_cast %select_n3A : i32 to index
      %swap3A_83 = arith.index_cast %mul3A_78 : i32 to index
      %swap3A_84 = tpu.vector_load %swap3A_81[%swap3A_82, %swap3A_83] {strides = array<i32>} : memref<80x128xf32, #tpu.memory_space<vmem>>, vector<1x16xf32>,
      %swap3A_85 = vector.shape_cast %swap3A_84 : vector<1x16xf32> to vector<16xf32>
      %swap3A_86 = vector.shape_cast %broadcast_in_dim3A_76 : vector<16xf32> to vector<1x16xf32>
      tpu.vector_store %swap3A_81[%swap3A_82, %swap3A_83], %swap3A_86 {strides = array<i32>} : memref<80x128xf32, #tpu.memory_space<vmem>>, vector<1x16xf32>,
      %scan3A_87 = arith.constant 0 : i32
      scf.yield %scan3A_87 : i32
    }
    %scan3A_7 = arith.constant 128 : i32
    %scan3A_8 = arith.constant 0 : i32
    %scan3A_9 = arith.constant 0 : i32
    %scan3A_10 = arith.constant 39 : i32
    %scan3A_11 = arith.addi %scan3A_9, %scan3A_10 : i32
    %scan3A_12 = arith.constant 1 : i32
    %scan3A_13 = scf.for %scan3A_43 = %scan3A_9 to %scan3A_11 step %scan3A_12 iter_args(%scan3A_44 = %scan3A_8) -> (i32)  : i32 {
      %mul3A_45 = arith.constant 624 : i32
      %mul3A_46 = arith.muli %arg1, %mul3A_45 : i32
      %mul3A_47 = arith.constant 16 : i32
      %mul3A_48 = arith.muli %scan3A_43, %mul3A_47 : i32
      %add3A_49 = arith.addi %mul3A_46, %mul3A_48 : i32
      %run_scoped3A = arith.constant 0 : i32
      "tpu.region"() ({
        %run_scoped3A_51 = tpu.sem_alloc : memref<!tpu.dma_semaphore, #tpu.memory_space<semaphore_mem>>
        %dma_start3A_52 = arith.constant 0 : i32
        %dma_start3A_53 = arith.constant 0 : i32
        %dma_start3A_54 = tpu.memref_slice %arg8[%run_scoped3A, %dma_start3A_52, %dma_start3A_53] : memref<2x80x128xf32, #tpu.memory_space<vmem>> -> memref<1x16x128xf32, #tpu.memory_space<vmem>>
        %dma_start3A_55 = tpu.memref_squeeze %dma_start3A_54 : memref<1x16x128xf32, #tpu.memory_space<vmem>> -> memref<16x128xf32, #tpu.memory_space<vmem>>
        %dma_start3A_56 = arith.constant 0 : i32
        %dma_start3A_57 = tpu.memref_slice %arg9[%add3A_49, %dma_start3A_56] : memref<10000x128xf32, #tpu.memory_space<vmem_shared>> -> memref<16x128xf32, #tpu.memory_space<vmem_shared>>
        %dma_start3A_58 = arith.constant 0 : i32
        %dma_start3A_59 = tpu.memref_slice %arg9[%add3A_49, %dma_start3A_58] : memref<10000x128xf32, #tpu.memory_space<vmem_shared>> -> memref<16x128xf32, #tpu.memory_space<vmem_shared>>
        %dma_start3A_60 = arith.constant 0 : i32
        %dma_start3A_61 = arith.constant 0 : i32
        %dma_start3A_62 = tpu.memref_slice %arg8[%run_scoped3A, %dma_start3A_60, %dma_start3A_61] : memref<2x80x128xf32, #tpu.memory_space<vmem>> -> memref<1x16x128xf32, #tpu.memory_space<vmem>>
        %dma_start3A_63 = tpu.memref_squeeze %dma_start3A_62 : memref<1x16x128xf32, #tpu.memory_space<vmem>> -> memref<16x128xf32, #tpu.memory_space<vmem>>
        tpu.enqueue_dma source(%dma_start3A_63 : memref<16x128xf32, #tpu.memory_space<vmem>>) target(%dma_start3A_59 : memref<16x128xf32, #tpu.memory_space<vmem_shared>>) target_semaphore(%run_scoped3A_51 : memref<!tpu.dma_semaphore, #tpu.memory_space<semaphore_mem>>)
        %dma_wait3A = arith.constant 0 : i32
        %dma_wait3A_64 = arith.constant 0 : i32
        %dma_wait3A_65 = tpu.memref_slice %arg8[%run_scoped3A, %dma_wait3A, %dma_wait3A_64] : memref<2x80x128xf32, #tpu.memory_space<vmem>> -> memref<1x16x128xf32, #tpu.memory_space<vmem>>
        %dma_wait3A_66 = tpu.memref_squeeze %dma_wait3A_65 : memref<1x16x128xf32, #tpu.memory_space<vmem>> -> memref<16x128xf32, #tpu.memory_space<vmem>>
        %dma_wait3A_67 = arith.constant 0 : i32
        %dma_wait3A_68 = tpu.memref_slice %arg9[%add3A_49, %dma_wait3A_67] : memref<10000x128xf32, #tpu.memory_space<vmem_shared>> -> memref<16x128xf32, #tpu.memory_space<vmem_shared>>
        %dma_wait3A_69 = arith.constant 0 : i32
        %dma_wait3A_70 = tpu.memref_slice %arg9[%add3A_49, %dma_wait3A_69] : memref<10000x128xf32, #tpu.memory_space<vmem_shared>> -> memref<16x128xf32, #tpu.memory_space<vmem_shared>>
        %dma_wait3A_71 = arith.constant 0 : i32
        %dma_wait3A_72 = arith.constant 0 : i32
        %dma_wait3A_73 = tpu.memref_slice %arg8[%run_scoped3A, %dma_wait3A_71, %dma_wait3A_72] : memref<2x80x128xf32, #tpu.memory_space<vmem>> -> memref<1x16x128xf32, #tpu.memory_space<vmem>>
        %dma_wait3A_74 = tpu.memref_squeeze %dma_wait3A_73 : memref<1x16x128xf32, #tpu.memory_space<vmem>> -> memref<16x128xf32, #tpu.memory_space<vmem>>
        tpu.wait_dma2 semaphore(%run_scoped3A_51 : memref<!tpu.dma_semaphore, #tpu.memory_space<semaphore_mem>>) src(%dma_wait3A_74 : memref<16x128xf32, #tpu.memory_space<vmem>>) dst(%dma_wait3A_70 : memref<16x128xf32, #tpu.memory_space<vmem_shared>>)
        tpu.yield
      }) : () -> ()
      %scan3A_50 = arith.constant 0 : i32
      scf.yield %scan3A_50 : i32
    }
    %scan3A_14 = arith.constant 39 : i32
    %eq3A = arith.constant 15 : i32
    %eq3A_15 = arith.cmpi eq, %arg1, %eq3A : i32
    %convert_element_type3A = arith.extui %eq3A_15 : i1 to i32
    %cond3A = arith.constant 0 : i32
    %cond3A_16 = arith.cmpi ne, %convert_element_type3A, %cond3A : i32
    scf.if %cond3A_16 {
      %scan3A_43 = arith.constant 0 : i32
      %scan3A_44 = arith.constant 39 : i32
      %mul3A_45 = arith.constant 624 : i32
      %mul3A_46 = arith.muli %arg1, %mul3A_45 : i32
      %mul3A_47 = arith.constant 16 : i32
      %mul3A_48 = arith.muli %scan3A_44, %mul3A_47 : i32
      %add3A_49 = arith.addi %mul3A_46, %mul3A_48 : i32
      %run_scoped3A = arith.constant 0 : i32
      "tpu.region"() ({
        %run_scoped3A_52 = tpu.sem_alloc : memref<!tpu.dma_semaphore, #tpu.memory_space<semaphore_mem>>
        %dma_start3A_53 = arith.constant 0 : i32
        %dma_start3A_54 = arith.constant 0 : i32
        %dma_start3A_55 = tpu.memref_slice %arg8[%run_scoped3A, %dma_start3A_53, %dma_start3A_54] : memref<2x80x128xf32, #tpu.memory_space<vmem>> -> memref<1x16x128xf32, #tpu.memory_space<vmem>>
        %dma_start3A_56 = tpu.memref_squeeze %dma_start3A_55 : memref<1x16x128xf32, #tpu.memory_space<vmem>> -> memref<16x128xf32, #tpu.memory_space<vmem>>
        %dma_start3A_57 = arith.constant 0 : i32
        %dma_start3A_58 = tpu.memref_slice %arg9[%add3A_49, %dma_start3A_57] : memref<10000x128xf32, #tpu.memory_space<vmem_shared>> -> memref<16x128xf32, #tpu.memory_space<vmem_shared>>
        %dma_start3A_59 = arith.constant 0 : i32
        %dma_start3A_60 = tpu.memref_slice %arg9[%add3A_49, %dma_start3A_59] : memref<10000x128xf32, #tpu.memory_space<vmem_shared>> -> memref<16x128xf32, #tpu.memory_space<vmem_shared>>
        %dma_start3A_61 = arith.constant 0 : i32
        %dma_start3A_62 = arith.constant 0 : i32
        %dma_start3A_63 = tpu.memref_slice %arg8[%run_scoped3A, %dma_start3A_61, %dma_start3A_62] : memref<2x80x128xf32, #tpu.memory_space<vmem>> -> memref<1x16x128xf32, #tpu.memory_space<vmem>>
        %dma_start3A_64 = tpu.memref_squeeze %dma_start3A_63 : memref<1x16x128xf32, #tpu.memory_space<vmem>> -> memref<16x128xf32, #tpu.memory_space<vmem>>
        tpu.enqueue_dma source(%dma_start3A_64 : memref<16x128xf32, #tpu.memory_space<vmem>>) target(%dma_start3A_60 : memref<16x128xf32, #tpu.memory_space<vmem_shared>>) target_semaphore(%run_scoped3A_52 : memref<!tpu.dma_semaphore, #tpu.memory_space<semaphore_mem>>)
        %dma_wait3A = arith.constant 0 : i32
        %dma_wait3A_65 = arith.constant 0 : i32
        %dma_wait3A_66 = tpu.memref_slice %arg8[%run_scoped3A, %dma_wait3A, %dma_wait3A_65] : memref<2x80x128xf32, #tpu.memory_space<vmem>> -> memref<1x16x128xf32, #tpu.memory_space<vmem>>
        %dma_wait3A_67 = tpu.memref_squeeze %dma_wait3A_66 : memref<1x16x128xf32, #tpu.memory_space<vmem>> -> memref<16x128xf32, #tpu.memory_space<vmem>>
        %dma_wait3A_68 = arith.constant 0 : i32
        %dma_wait3A_69 = tpu.memref_slice %arg9[%add3A_49, %dma_wait3A_68] : memref<10000x128xf32, #tpu.memory_space<vmem_shared>> -> memref<16x128xf32, #tpu.memory_space<vmem_shared>>
        %dma_wait3A_70 = arith.constant 0 : i32
        %dma_wait3A_71 = tpu.memref_slice %arg9[%add3A_49, %dma_wait3A_70] : memref<10000x128xf32, #tpu.memory_space<vmem_shared>> -> memref<16x128xf32, #tpu.memory_space<vmem_shared>>
        %dma_wait3A_72 = arith.constant 0 : i32
        %dma_wait3A_73 = arith.constant 0 : i32
        %dma_wait3A_74 = tpu.memref_slice %arg8[%run_scoped3A, %dma_wait3A_72, %dma_wait3A_73] : memref<2x80x128xf32, #tpu.memory_space<vmem>> -> memref<1x16x128xf32, #tpu.memory_space<vmem>>
        %dma_wait3A_75 = tpu.memref_squeeze %dma_wait3A_74 : memref<1x16x128xf32, #tpu.memory_space<vmem>> -> memref<16x128xf32, #tpu.memory_space<vmem>>
        tpu.wait_dma2 semaphore(%run_scoped3A_52 : memref<!tpu.dma_semaphore, #tpu.memory_space<semaphore_mem>>) src(%dma_wait3A_75 : memref<16x128xf32, #tpu.memory_space<vmem>>) dst(%dma_wait3A_71 : memref<16x128xf32, #tpu.memory_space<vmem_shared>>)
        tpu.yield
      }) : () -> ()
      %scan3A_50 = arith.constant 0 : i32
      %scan3A_51 = arith.constant 1 : i32
    } else {
    }
    %mul3A_17 = arith.constant 10000 : i32
    %mul3A_18 = arith.muli %add3A, %mul3A_17 : i32
    "tpu.region"() ({
      %run_scoped3A = tpu.sem_alloc : memref<!tpu.dma_semaphore, #tpu.memory_space<semaphore_mem>>
      %dma_start3A_43 = tpu.memref_slice %arg3[%mul3A_18] : memref<320000xi32, #tpu.memory_space<hbm>> -> memref<10000xi32, #tpu.memory_space<hbm>>
      %dma_start3A_44 = tpu.memref_slice %arg3[%mul3A_18] : memref<320000xi32, #tpu.memory_space<hbm>> -> memref<10000xi32, #tpu.memory_space<hbm>>
      tpu.enqueue_dma source(%dma_start3A_44 : memref<10000xi32, #tpu.memory_space<hbm>>) target(%arg6 : memref<10000xi32, #tpu.memory_space<vmem>>) target_semaphore(%run_scoped3A : memref<!tpu.dma_semaphore, #tpu.memory_space<semaphore_mem>>)
      %dma_wait3A = tpu.memref_slice %arg3[%mul3A_18] : memref<320000xi32, #tpu.memory_space<hbm>> -> memref<10000xi32, #tpu.memory_space<hbm>>
      %dma_wait3A_45 = tpu.memref_slice %arg3[%mul3A_18] : memref<320000xi32, #tpu.memory_space<hbm>> -> memref<10000xi32, #tpu.memory_space<hbm>>
      tpu.wait_dma2 semaphore(%run_scoped3A : memref<!tpu.dma_semaphore, #tpu.memory_space<semaphore_mem>>) src(%dma_wait3A_45 : memref<10000xi32, #tpu.memory_space<hbm>>) dst(%arg6 : memref<10000xi32, #tpu.memory_space<vmem>>)
      tpu.yield
    }) : () -> ()
    "tpu.region"() ({
      %run_scoped3A = tpu.sem_alloc : memref<!tpu.dma_semaphore, #tpu.memory_space<semaphore_mem>>
      %dma_start3A_43 = arith.constant 0 : i32
      %dma_start3A_44 = arith.constant 0 : i32
      %dma_start3A_45 = tpu.memref_slice %arg4[%add3A, %dma_start3A_43, %dma_start3A_44] : memref<32x125x80xi32, #tpu.memory_space<hbm>> -> memref<1x125x80xi32, #tpu.memory_space<hbm>>
      %dma_start3A_46 = tpu.memref_squeeze %dma_start3A_45 : memref<1x125x80xi32, #tpu.memory_space<hbm>> -> memref<125x80xi32, #tpu.memory_space<hbm>>
      %dma_start3A_47 = arith.constant 0 : i32
      %dma_start3A_48 = arith.constant 0 : i32
      %dma_start3A_49 = tpu.memref_slice %arg4[%add3A, %dma_start3A_47, %dma_start3A_48] : memref<32x125x80xi32, #tpu.memory_space<hbm>> -> memref<1x125x80xi32, #tpu.memory_space<hbm>>
      %dma_start3A_50 = tpu.memref_squeeze %dma_start3A_49 : memref<1x125x80xi32, #tpu.memory_space<hbm>> -> memref<125x80xi32, #tpu.memory_space<hbm>>
      tpu.enqueue_dma source(%dma_start3A_50 : memref<125x80xi32, #tpu.memory_space<hbm>>) target(%arg7 : memref<125x80xi32, #tpu.memory_space<vmem>>) target_semaphore(%run_scoped3A : memref<!tpu.dma_semaphore, #tpu.memory_space<semaphore_mem>>)
      %dma_wait3A = arith.constant 0 : i32
      %dma_wait3A_51 = arith.constant 0 : i32
      %dma_wait3A_52 = tpu.memref_slice %arg4[%add3A, %dma_wait3A, %dma_wait3A_51] : memref<32x125x80xi32, #tpu.memory_space<hbm>> -> memref<1x125x80xi32, #tpu.memory_space<hbm>>
      %dma_wait3A_53 = tpu.memref_squeeze %dma_wait3A_52 : memref<1x125x80xi32, #tpu.memory_space<hbm>> -> memref<125x80xi32, #tpu.memory_space<hbm>>
      %dma_wait3A_54 = arith.constant 0 : i32
      %dma_wait3A_55 = arith.constant 0 : i32
      %dma_wait3A_56 = tpu.memref_slice %arg4[%add3A, %dma_wait3A_54, %dma_wait3A_55] : memref<32x125x80xi32, #tpu.memory_space<hbm>> -> memref<1x125x80xi32, #tpu.memory_space<hbm>>
      %dma_wait3A_57 = tpu.memref_squeeze %dma_wait3A_56 : memref<1x125x80xi32, #tpu.memory_space<hbm>> -> memref<125x80xi32, #tpu.memory_space<hbm>>
      tpu.wait_dma2 semaphore(%run_scoped3A : memref<!tpu.dma_semaphore, #tpu.memory_space<semaphore_mem>>) src(%dma_wait3A_57 : memref<125x80xi32, #tpu.memory_space<hbm>>) dst(%arg7 : memref<125x80xi32, #tpu.memory_space<vmem>>)
      tpu.yield
    }) : () -> ()
    %barrier3A = arith.constant 0 : index
    tpu.barrier barrier_id(%barrier3A)
    %dma_start3A = arith.constant 0 : i32
    %dma_start3A_19 = arith.constant 0 : i32
    %dma_start3A_20 = arith.constant 0 : i32
    %dma_start3A_21 = tpu.memref_slice %arg8[%dma_start3A, %dma_start3A_19, %dma_start3A_20] : memref<2x80x128xf32, #tpu.memory_space<vmem>> -> memref<1x80x128xf32, #tpu.memory_space<vmem>>
    %dma_start3A_22 = tpu.memref_squeeze %dma_start3A_21 : memref<1x80x128xf32, #tpu.memory_space<vmem>> -> memref<80x128xf32, #tpu.memory_space<vmem>>
    %dma_start3A_23 = arith.constant 0 : i32
    %dma_start3A_24 = tpu.memref_slice %arg6[%dma_start3A_23] : memref<10000xi32, #tpu.memory_space<vmem>> -> memref<80xi32, #tpu.memory_space<vmem>>
    %dma_start3A_25 = arith.constant 0 : i32
    %dma_start3A_26 = arith.constant 0 : i32
    %dma_start3A_27 = tpu.memref_slice %arg2[%dma_start3A_25, %dma_start3A_26] : memref<10000x128xf32, #tpu.memory_space<hbm>> -> memref<10000x128xf32, #tpu.memory_space<hbm>>
    tpu.enqueue_indirect_dma source(%dma_start3A_27 : memref<10000x128xf32, #tpu.memory_space<hbm>>) target(%dma_start3A_22 : memref<80x128xf32, #tpu.memory_space<vmem>>) offsets(%dma_start3A_24 : memref<80xi32, #tpu.memory_space<vmem>>) semaphore(%arg10 : memref<!tpu.dma_semaphore, #tpu.memory_space<semaphore_mem>>)
    %scan3A_28 = arith.constant 0 : i32
    %scan3A_29 = arith.constant 0 : i32
    %scan3A_30 = arith.constant 125 : i32
    %scan3A_31 = arith.addi %scan3A_29, %scan3A_30 : i32
    %scan3A_32 = arith.constant 1 : i32
    %scan3A_33 = scf.for %scan3A_43 = %scan3A_29 to %scan3A_31 step %scan3A_32 iter_args(%scan3A_44 = %scan3A_28) -> (i32)  : i32 {
      %rem3A = arith.constant 2 : i32
      %rem3A_45 = arith.remsi %scan3A_43, %rem3A : i32
      %mul3A_46 = arith.constant 80 : i32
      %mul3A_47 = arith.muli %scan3A_43, %mul3A_46 : i32
      %dma_wait3A = arith.constant 0 : i32
      %dma_wait3A_48 = arith.constant 0 : i32
      %dma_wait3A_49 = tpu.memref_slice %arg8[%rem3A_45, %dma_wait3A, %dma_wait3A_48] : memref<2x80x128xf32, #tpu.memory_space<vmem>> -> memref<1x80x128xf32, #tpu.memory_space<vmem>>
      %dma_wait3A_50 = tpu.memref_squeeze %dma_wait3A_49 : memref<1x80x128xf32, #tpu.memory_space<vmem>> -> memref<80x128xf32, #tpu.memory_space<vmem>>
      %dma_wait3A_51 = tpu.memref_slice %arg6[%mul3A_47] : memref<10000xi32, #tpu.memory_space<vmem>> -> memref<80xi32, #tpu.memory_space<vmem>>
      %dma_wait3A_52 = arith.constant 0 : i32
      %dma_wait3A_53 = arith.constant 0 : i32
      %dma_wait3A_54 = tpu.memref_slice %arg2[%dma_wait3A_52, %dma_wait3A_53] : memref<10000x128xf32, #tpu.memory_space<hbm>> -> memref<10000x128xf32, #tpu.memory_space<hbm>>
      tpu.wait_indirect_dma semaphore(%arg10 : memref<!tpu.dma_semaphore, #tpu.memory_space<semaphore_mem>>) src(%dma_wait3A_54 : memref<10000x128xf32, #tpu.memory_space<hbm>>) dst(%dma_wait3A_50 : memref<80x128xf32, #tpu.memory_space<vmem>>)
      %add3A_55 = arith.constant 1 : i32
      %add3A_56 = arith.addi %scan3A_43, %add3A_55 : i32
      %lt3A = arith.constant 125 : i32
      %lt3A_57 = arith.cmpi slt, %add3A_56, %lt3A : i32
      %convert_element_type3A_58 = arith.extui %lt3A_57 : i1 to i32
      %cond3A_59 = arith.constant 0 : i32
      %cond3A_60 = arith.cmpi ne, %convert_element_type3A_58, %cond3A_59 : i32
      scf.if %cond3A_60 {
        %add3A_62 = arith.constant 1 : i32
        %add3A_63 = arith.addi %scan3A_43, %add3A_62 : i32
        %mul3A_64 = arith.constant 80 : i32
        %mul3A_65 = arith.muli %add3A_63, %mul3A_64 : i32
        %sub3A = arith.constant 1 : i32
        %sub3A_66 = arith.subi %sub3A, %rem3A_45 : i32
        %dma_start3A_67 = arith.constant 0 : i32
        %dma_start3A_68 = arith.constant 0 : i32
        %dma_start3A_69 = tpu.memref_slice %arg8[%sub3A_66, %dma_start3A_67, %dma_start3A_68] : memref<2x80x128xf32, #tpu.memory_space<vmem>> -> memref<1x80x128xf32, #tpu.memory_space<vmem>>
        %dma_start3A_70 = tpu.memref_squeeze %dma_start3A_69 : memref<1x80x128xf32, #tpu.memory_space<vmem>> -> memref<80x128xf32, #tpu.memory_space<vmem>>
        %dma_start3A_71 = tpu.memref_slice %arg6[%mul3A_65] : memref<10000xi32, #tpu.memory_space<vmem>> -> memref<80xi32, #tpu.memory_space<vmem>>
        %dma_start3A_72 = arith.constant 0 : i32
        %dma_start3A_73 = arith.constant 0 : i32
        %dma_start3A_74 = tpu.memref_slice %arg2[%dma_start3A_72, %dma_start3A_73] : memref<10000x128xf32, #tpu.memory_space<hbm>> -> memref<10000x128xf32, #tpu.memory_space<hbm>>
        tpu.enqueue_indirect_dma source(%dma_start3A_74 : memref<10000x128xf32, #tpu.memory_space<hbm>>) target(%dma_start3A_70 : memref<80x128xf32, #tpu.memory_space<vmem>>) offsets(%dma_start3A_71 : memref<80xi32, #tpu.memory_space<vmem>>) semaphore(%arg10 : memref<!tpu.dma_semaphore, #tpu.memory_space<semaphore_mem>>)
      } else {
      }
      "tpu.region"() ({
        %run_scoped3A = tpu.sem_alloc : memref<!tpu.dma_semaphore, #tpu.memory_space<semaphore_mem>>
        %dma_start3A_62 = arith.constant 0 : i32
        %dma_start3A_63 = arith.constant 0 : i32
        %dma_start3A_64 = tpu.memref_slice %arg8[%rem3A_45, %dma_start3A_62, %dma_start3A_63] : memref<2x80x128xf32, #tpu.memory_space<vmem>> -> memref<1x80x128xf32, #tpu.memory_space<vmem>>
        %dma_start3A_65 = tpu.memref_squeeze %dma_start3A_64 : memref<1x80x128xf32, #tpu.memory_space<vmem>> -> memref<80x128xf32, #tpu.memory_space<vmem>>
        %dma_start3A_66 = arith.constant 0 : i32
        %dma_start3A_67 = tpu.memref_slice %arg7[%scan3A_43, %dma_start3A_66] : memref<125x80xi32, #tpu.memory_space<vmem>> -> memref<1x80xi32, #tpu.memory_space<vmem>>
        %dma_start3A_68 = tpu.memref_squeeze %dma_start3A_67 : memref<1x80xi32, #tpu.memory_space<vmem>> -> memref<80xi32, #tpu.memory_space<vmem>>
        %dma_start3A_69 = arith.constant 0 : i32
        %dma_start3A_70 = arith.constant 0 : i32
        %dma_start3A_71 = tpu.memref_slice %arg9[%dma_start3A_69, %dma_start3A_70] : memref<10000x128xf32, #tpu.memory_space<vmem_shared>> -> memref<10000x128xf32, #tpu.memory_space<vmem_shared>>
        tpu.enqueue_indirect_dma source(%dma_start3A_65 : memref<80x128xf32, #tpu.memory_space<vmem>>) target(%dma_start3A_71 : memref<10000x128xf32, #tpu.memory_space<vmem_shared>>) offsets(%dma_start3A_68 : memref<80xi32, #tpu.memory_space<vmem>>) semaphore(%run_scoped3A : memref<!tpu.dma_semaphore, #tpu.memory_space<semaphore_mem>>) {add = true}
        %dma_wait3A_72 = arith.constant 0 : i32
        %dma_wait3A_73 = arith.constant 0 : i32
        %dma_wait3A_74 = tpu.memref_slice %arg8[%rem3A_45, %dma_wait3A_72, %dma_wait3A_73] : memref<2x80x128xf32, #tpu.memory_space<vmem>> -> memref<1x80x128xf32, #tpu.memory_space<vmem>>
        %dma_wait3A_75 = tpu.memref_squeeze %dma_wait3A_74 : memref<1x80x128xf32, #tpu.memory_space<vmem>> -> memref<80x128xf32, #tpu.memory_space<vmem>>
        %dma_wait3A_76 = arith.constant 0 : i32
        %dma_wait3A_77 = tpu.memref_slice %arg7[%scan3A_43, %dma_wait3A_76] : memref<125x80xi32, #tpu.memory_space<vmem>> -> memref<1x80xi32, #tpu.memory_space<vmem>>
        %dma_wait3A_78 = tpu.memref_squeeze %dma_wait3A_77 : memref<1x80xi32, #tpu.memory_space<vmem>> -> memref<80xi32, #tpu.memory_space<vmem>>
        %dma_wait3A_79 = arith.constant 0 : i32
        %dma_wait3A_80 = arith.constant 0 : i32
        %dma_wait3A_81 = tpu.memref_slice %arg9[%dma_wait3A_79, %dma_wait3A_80] : memref<10000x128xf32, #tpu.memory_space<vmem_shared>> -> memref<10000x128xf32, #tpu.memory_space<vmem_shared>>
        tpu.wait_indirect_dma semaphore(%run_scoped3A : memref<!tpu.dma_semaphore, #tpu.memory_space<semaphore_mem>>) src(%dma_wait3A_75 : memref<80x128xf32, #tpu.memory_space<vmem>>) dst(%dma_wait3A_81 : memref<10000x128xf32, #tpu.memory_space<vmem_shared>>)
        tpu.yield
      }) : () -> ()
      %scan3A_61 = arith.constant 0 : i32
      scf.yield %scan3A_61 : i32
    }
    %scan3A_34 = arith.constant 125 : i32
    %barrier3A_35 = arith.constant 0 : index
    tpu.barrier barrier_id(%barrier3A_35)
    %mul3A_36 = arith.constant 624 : i32
    %mul3A_37 = arith.muli %arg1, %mul3A_36 : i32
    "tpu.region"() ({
      %run_scoped3A = tpu.sem_alloc : memref<!tpu.dma_semaphore, #tpu.memory_space<semaphore_mem>>
      %dma_start3A_43 = arith.constant 0 : i32
      %dma_start3A_44 = tpu.memref_slice %arg5[%arg0, %mul3A_37, %dma_start3A_43] : memref<2x10000x128xf32, #tpu.memory_space<hbm>> -> memref<1x624x128xf32, #tpu.memory_space<hbm>>
      %dma_start3A_45 = tpu.memref_squeeze %dma_start3A_44 : memref<1x624x128xf32, #tpu.memory_space<hbm>> -> memref<624x128xf32, #tpu.memory_space<hbm>>
      %dma_start3A_46 = arith.constant 0 : i32
      %dma_start3A_47 = tpu.memref_slice %arg9[%mul3A_37, %dma_start3A_46] : memref<10000x128xf32, #tpu.memory_space<vmem_shared>> -> memref<624x128xf32, #tpu.memory_space<vmem_shared>>
      tpu.enqueue_dma source(%dma_start3A_47 : memref<624x128xf32, #tpu.memory_space<vmem_shared>>) target(%dma_start3A_45 : memref<624x128xf32, #tpu.memory_space<hbm>>) target_semaphore(%run_scoped3A : memref<!tpu.dma_semaphore, #tpu.memory_space<semaphore_mem>>)
      %dma_wait3A = arith.constant 0 : i32
      %dma_wait3A_48 = tpu.memref_slice %arg5[%arg0, %mul3A_37, %dma_wait3A] : memref<2x10000x128xf32, #tpu.memory_space<hbm>> -> memref<1x624x128xf32, #tpu.memory_space<hbm>>
      %dma_wait3A_49 = tpu.memref_squeeze %dma_wait3A_48 : memref<1x624x128xf32, #tpu.memory_space<hbm>> -> memref<624x128xf32, #tpu.memory_space<hbm>>
      %dma_wait3A_50 = arith.constant 0 : i32
      %dma_wait3A_51 = tpu.memref_slice %arg9[%mul3A_37, %dma_wait3A_50] : memref<10000x128xf32, #tpu.memory_space<vmem_shared>> -> memref<624x128xf32, #tpu.memory_space<vmem_shared>>
      tpu.wait_dma2 semaphore(%run_scoped3A : memref<!tpu.dma_semaphore, #tpu.memory_space<semaphore_mem>>) src(%dma_wait3A_51 : memref<624x128xf32, #tpu.memory_space<vmem_shared>>) dst(%dma_wait3A_49 : memref<624x128xf32, #tpu.memory_space<hbm>>)
      tpu.yield
    }) : () -> ()
    %eq3A_38 = arith.constant 15 : i32
    %eq3A_39 = arith.cmpi eq, %arg1, %eq3A_38 : i32
    %convert_element_type3A_40 = arith.extui %eq3A_39 : i1 to i32
    %cond3A_41 = arith.constant 0 : i32
    %cond3A_42 = arith.cmpi ne, %convert_element_type3A_40, %cond3A_41 : i32
    scf.if %cond3A_42 {
      "tpu.region"() ({
        %run_scoped3A = tpu.sem_alloc : memref<!tpu.dma_semaphore, #tpu.memory_space<semaphore_mem>>
        %dma_start3A_43 = arith.constant 9984 : i32
        %dma_start3A_44 = arith.constant 0 : i32
        %dma_start3A_45 = tpu.memref_slice %arg5[%arg0, %dma_start3A_43, %dma_start3A_44] : memref<2x10000x128xf32, #tpu.memory_space<hbm>> -> memref<1x16x128xf32, #tpu.memory_space<hbm>>
        %dma_start3A_46 = tpu.memref_squeeze %dma_start3A_45 : memref<1x16x128xf32, #tpu.memory_space<hbm>> -> memref<16x128xf32, #tpu.memory_space<hbm>>
        %dma_start3A_47 = arith.constant 9984 : i32
        %dma_start3A_48 = arith.constant 0 : i32
        %dma_start3A_49 = tpu.memref_slice %arg9[%dma_start3A_47, %dma_start3A_48] : memref<10000x128xf32, #tpu.memory_space<vmem_shared>> -> memref<16x128xf32, #tpu.memory_space<vmem_shared>>
        tpu.enqueue_dma source(%dma_start3A_49 : memref<16x128xf32, #tpu.memory_space<vmem_shared>>) target(%dma_start3A_46 : memref<16x128xf32, #tpu.memory_space<hbm>>) target_semaphore(%run_scoped3A : memref<!tpu.dma_semaphore, #tpu.memory_space<semaphore_mem>>)
        %dma_wait3A = arith.constant 9984 : i32
        %dma_wait3A_50 = arith.constant 0 : i32
        %dma_wait3A_51 = tpu.memref_slice %arg5[%arg0, %dma_wait3A, %dma_wait3A_50] : memref<2x10000x128xf32, #tpu.memory_space<hbm>> -> memref<1x16x128xf32, #tpu.memory_space<hbm>>
        %dma_wait3A_52 = tpu.memref_squeeze %dma_wait3A_51 : memref<1x16x128xf32, #tpu.memory_space<hbm>> -> memref<16x128xf32, #tpu.memory_space<hbm>>
        %dma_wait3A_53 = arith.constant 9984 : i32
        %dma_wait3A_54 = arith.constant 0 : i32
        %dma_wait3A_55 = tpu.memref_slice %arg9[%dma_wait3A_53, %dma_wait3A_54] : memref<10000x128xf32, #tpu.memory_space<vmem_shared>> -> memref<16x128xf32, #tpu.memory_space<vmem_shared>>
        tpu.wait_dma2 semaphore(%run_scoped3A : memref<!tpu.dma_semaphore, #tpu.memory_space<semaphore_mem>>) src(%dma_wait3A_55 : memref<16x128xf32, #tpu.memory_space<vmem_shared>>) dst(%dma_wait3A_52 : memref<16x128xf32, #tpu.memory_space<hbm>>)
        tpu.yield
      }) : () -> ()
    } else {
    }
    return
  }
}

#map = affine_map<(d0, d1) -> (0, 0, 0)>
module attributes {stable_mosaic.version = 14 : i64} {
  func.func @_sc_degree_body(%arg0: i32, %arg1: i32, %arg2: memref<32x125x80xi32, #tpu.memory_space<hbm>>, %arg3: memref<2x10000x128xf32, #tpu.memory_space<hbm>>, %arg4: memref<125x80xi32, #tpu.memory_space<vmem>>, %arg5: memref<80x128xf32, #tpu.memory_space<vmem>>, %arg6: memref<10000x128xf32, #tpu.memory_space<vmem_shared>>) attributes {dimension_semantics = [#tpu.dimension_semantics<core_parallel>, #tpu.dimension_semantics<subcore_parallel>], iteration_bounds = array<i64: 2, 16>, scalar_prefetch = 0 : i64, scratch_operands = 3 : i64, tpu.core_type = #tpu.core_type<sc_vector_subcore>, window_params = [{transform_indices = #map}, {transform_indices = #map}]} {
    %mul3A = arith.constant 2 : i32
    %mul3A_0 = arith.muli %arg1, %mul3A : i32
    %add3A = arith.addi %mul3A_0, %arg0 : i32
    %scan3A = arith.constant 0 : i32
    %scan3A_1 = arith.constant 0 : i32
    %scan3A_2 = arith.constant 640 : i32
    %scan3A_3 = arith.addi %scan3A_1, %scan3A_2 : i32
    %scan3A_4 = arith.constant 1 : i32
    %scan3A_5 = scf.for %scan3A_38 = %scan3A_1 to %scan3A_3 step %scan3A_4 iter_args(%scan3A_39 = %scan3A) -> (i32)  : i32 {
      %jit3A = arith.constant 8 : i32
      %div3A = arith.divsi %scan3A_38, %jit3A : i32
      %sign3A = arith.constant 0 : i32
      %sign3A_40 = arith.cmpi sgt, %scan3A_38, %sign3A : i32
      %sign3A_41 = arith.extui %sign3A_40 : i1 to i32
      %sign3A_42 = arith.constant 0 : i32
      %sign3A_43 = arith.cmpi slt, %scan3A_38, %sign3A_42 : i32
      %sign3A_44 = arith.extui %sign3A_43 : i1 to i32
      %sign3A_45 = arith.subi %sign3A_41, %sign3A_44 : i32
      %sign3A_46 = arith.constant 0 : i32
      %sign3A_47 = arith.cmpi sgt, %jit3A, %sign3A_46 : i32
      %sign3A_48 = arith.extui %sign3A_47 : i1 to i32
      %sign3A_49 = arith.constant 0 : i32
      %sign3A_50 = arith.cmpi slt, %jit3A, %sign3A_49 : i32
      %sign3A_51 = arith.extui %sign3A_50 : i1 to i32
      %sign3A_52 = arith.subi %sign3A_48, %sign3A_51 : i32
      %ne3A = arith.cmpi ne, %sign3A_45, %sign3A_52 : i32
      %rem3A = arith.remsi %scan3A_38, %jit3A : i32
      %ne3A_53 = arith.constant 0 : i32
      %ne3A_54 = arith.cmpi ne, %rem3A, %ne3A_53 : i32
      %and3A = arith.andi %ne3A, %ne3A_54 : i1
      %sub3A = arith.constant 1 : i32
      %sub3A_55 = arith.subi %div3A, %sub3A : i32
      %select_n3A = arith.select %and3A, %sub3A_55, %div3A : i32
      %jit3A_56 = arith.constant 8 : i32
      %eq3A_57 = arith.constant 0 : i32
      %eq3A_58 = arith.cmpi eq, %jit3A_56, %eq3A_57 : i32
      %jit3A_59 = arith.constant 1 : i32
      %select_n3A_60 = arith.select %eq3A_58, %jit3A_59, %jit3A_56 : i32
      %rem3A_61 = arith.remsi %scan3A_38, %select_n3A_60 : i32
      %ne3A_62 = arith.constant 0 : i32
      %ne3A_63 = arith.cmpi ne, %rem3A_61, %ne3A_62 : i32
      %lt3A = arith.constant 0 : i32
      %lt3A_64 = arith.cmpi slt, %rem3A_61, %lt3A : i32
      %lt3A_65 = arith.constant 0 : i32
      %lt3A_66 = arith.cmpi slt, %select_n3A_60, %lt3A_65 : i32
      %ne3A_67 = arith.xori %lt3A_64, %lt3A_66 : i1
      %and3A_68 = arith.andi %ne3A_67, %ne3A_63 : i1
      %add3A_69 = arith.addi %rem3A_61, %select_n3A_60 : i32
      %select_n3A_70 = arith.select %and3A_68, %add3A_69, %rem3A_61 : i32
      %broadcast_in_dim3A = arith.constant 0.000000e+00 : f32
      %broadcast_in_dim3A_71 = vector.broadcast %broadcast_in_dim3A : f32 to vector<16xf32>
      %mul3A_72 = arith.constant 16 : i32
      %mul3A_73 = arith.muli %select_n3A_70, %mul3A_72 : i32
      %swap3A = arith.index_cast %select_n3A : i32 to index
      %swap3A_74 = arith.index_cast %mul3A_73 : i32 to index
      %swap3A_75 = tpu.vector_load %arg5[%swap3A, %swap3A_74] {strides = array<i32>} : memref<80x128xf32, #tpu.memory_space<vmem>>, vector<1x16xf32>,
      %swap3A_76 = vector.shape_cast %swap3A_75 : vector<1x16xf32> to vector<16xf32>
      %swap3A_77 = vector.shape_cast %broadcast_in_dim3A_71 : vector<16xf32> to vector<1x16xf32>
      tpu.vector_store %arg5[%swap3A, %swap3A_74], %swap3A_77 {strides = array<i32>} : memref<80x128xf32, #tpu.memory_space<vmem>>, vector<1x16xf32>,
      %scan3A_78 = arith.constant 0 : i32
      scf.yield %scan3A_78 : i32
    }
    %scan3A_6 = arith.constant 640 : i32
    %scan3A_7 = arith.constant 0 : i32
    %scan3A_8 = arith.constant 0 : i32
    %scan3A_9 = arith.constant 39 : i32
    %scan3A_10 = arith.addi %scan3A_8, %scan3A_9 : i32
    %scan3A_11 = arith.constant 1 : i32
    %scan3A_12 = scf.for %scan3A_38 = %scan3A_8 to %scan3A_10 step %scan3A_11 iter_args(%scan3A_39 = %scan3A_7) -> (i32)  : i32 {
      %mul3A_40 = arith.constant 624 : i32
      %mul3A_41 = arith.muli %arg1, %mul3A_40 : i32
      %mul3A_42 = arith.constant 16 : i32
      %mul3A_43 = arith.muli %scan3A_38, %mul3A_42 : i32
      %add3A_44 = arith.addi %mul3A_41, %mul3A_43 : i32
      "tpu.region"() ({
        %run_scoped3A = tpu.sem_alloc : memref<!tpu.dma_semaphore, #tpu.memory_space<semaphore_mem>>
        %dma_start3A = arith.constant 0 : i32
        %dma_start3A_46 = arith.constant 0 : i32
        %dma_start3A_47 = tpu.memref_slice %arg5[%dma_start3A, %dma_start3A_46] : memref<80x128xf32, #tpu.memory_space<vmem>> -> memref<16x128xf32, #tpu.memory_space<vmem>>
        %dma_start3A_48 = arith.constant 0 : i32
        %dma_start3A_49 = tpu.memref_slice %arg6[%add3A_44, %dma_start3A_48] : memref<10000x128xf32, #tpu.memory_space<vmem_shared>> -> memref<16x128xf32, #tpu.memory_space<vmem_shared>>
        %dma_start3A_50 = arith.constant 0 : i32
        %dma_start3A_51 = tpu.memref_slice %arg6[%add3A_44, %dma_start3A_50] : memref<10000x128xf32, #tpu.memory_space<vmem_shared>> -> memref<16x128xf32, #tpu.memory_space<vmem_shared>>
        %dma_start3A_52 = arith.constant 0 : i32
        %dma_start3A_53 = arith.constant 0 : i32
        %dma_start3A_54 = tpu.memref_slice %arg5[%dma_start3A_52, %dma_start3A_53] : memref<80x128xf32, #tpu.memory_space<vmem>> -> memref<16x128xf32, #tpu.memory_space<vmem>>
        tpu.enqueue_dma source(%dma_start3A_54 : memref<16x128xf32, #tpu.memory_space<vmem>>) target(%dma_start3A_51 : memref<16x128xf32, #tpu.memory_space<vmem_shared>>) target_semaphore(%run_scoped3A : memref<!tpu.dma_semaphore, #tpu.memory_space<semaphore_mem>>)
        %dma_wait3A = arith.constant 0 : i32
        %dma_wait3A_55 = arith.constant 0 : i32
        %dma_wait3A_56 = tpu.memref_slice %arg5[%dma_wait3A, %dma_wait3A_55] : memref<80x128xf32, #tpu.memory_space<vmem>> -> memref<16x128xf32, #tpu.memory_space<vmem>>
        %dma_wait3A_57 = arith.constant 0 : i32
        %dma_wait3A_58 = tpu.memref_slice %arg6[%add3A_44, %dma_wait3A_57] : memref<10000x128xf32, #tpu.memory_space<vmem_shared>> -> memref<16x128xf32, #tpu.memory_space<vmem_shared>>
        %dma_wait3A_59 = arith.constant 0 : i32
        %dma_wait3A_60 = tpu.memref_slice %arg6[%add3A_44, %dma_wait3A_59] : memref<10000x128xf32, #tpu.memory_space<vmem_shared>> -> memref<16x128xf32, #tpu.memory_space<vmem_shared>>
        %dma_wait3A_61 = arith.constant 0 : i32
        %dma_wait3A_62 = arith.constant 0 : i32
        %dma_wait3A_63 = tpu.memref_slice %arg5[%dma_wait3A_61, %dma_wait3A_62] : memref<80x128xf32, #tpu.memory_space<vmem>> -> memref<16x128xf32, #tpu.memory_space<vmem>>
        tpu.wait_dma2 semaphore(%run_scoped3A : memref<!tpu.dma_semaphore, #tpu.memory_space<semaphore_mem>>) src(%dma_wait3A_63 : memref<16x128xf32, #tpu.memory_space<vmem>>) dst(%dma_wait3A_60 : memref<16x128xf32, #tpu.memory_space<vmem_shared>>)
        tpu.yield
      }) : () -> ()
      %scan3A_45 = arith.constant 0 : i32
      scf.yield %scan3A_45 : i32
    }
    %scan3A_13 = arith.constant 39 : i32
    %eq3A = arith.constant 15 : i32
    %eq3A_14 = arith.cmpi eq, %arg1, %eq3A : i32
    %convert_element_type3A = arith.extui %eq3A_14 : i1 to i32
    %cond3A = arith.constant 0 : i32
    %cond3A_15 = arith.cmpi ne, %convert_element_type3A, %cond3A : i32
    scf.if %cond3A_15 {
      %scan3A_38 = arith.constant 0 : i32
      %scan3A_39 = arith.constant 39 : i32
      %mul3A_40 = arith.constant 624 : i32
      %mul3A_41 = arith.muli %arg1, %mul3A_40 : i32
      %mul3A_42 = arith.constant 16 : i32
      %mul3A_43 = arith.muli %scan3A_39, %mul3A_42 : i32
      %add3A_44 = arith.addi %mul3A_41, %mul3A_43 : i32
      "tpu.region"() ({
        %run_scoped3A = tpu.sem_alloc : memref<!tpu.dma_semaphore, #tpu.memory_space<semaphore_mem>>
        %dma_start3A = arith.constant 0 : i32
        %dma_start3A_47 = arith.constant 0 : i32
        %dma_start3A_48 = tpu.memref_slice %arg5[%dma_start3A, %dma_start3A_47] : memref<80x128xf32, #tpu.memory_space<vmem>> -> memref<16x128xf32, #tpu.memory_space<vmem>>
        %dma_start3A_49 = arith.constant 0 : i32
        %dma_start3A_50 = tpu.memref_slice %arg6[%add3A_44, %dma_start3A_49] : memref<10000x128xf32, #tpu.memory_space<vmem_shared>> -> memref<16x128xf32, #tpu.memory_space<vmem_shared>>
        %dma_start3A_51 = arith.constant 0 : i32
        %dma_start3A_52 = tpu.memref_slice %arg6[%add3A_44, %dma_start3A_51] : memref<10000x128xf32, #tpu.memory_space<vmem_shared>> -> memref<16x128xf32, #tpu.memory_space<vmem_shared>>
        %dma_start3A_53 = arith.constant 0 : i32
        %dma_start3A_54 = arith.constant 0 : i32
        %dma_start3A_55 = tpu.memref_slice %arg5[%dma_start3A_53, %dma_start3A_54] : memref<80x128xf32, #tpu.memory_space<vmem>> -> memref<16x128xf32, #tpu.memory_space<vmem>>
        tpu.enqueue_dma source(%dma_start3A_55 : memref<16x128xf32, #tpu.memory_space<vmem>>) target(%dma_start3A_52 : memref<16x128xf32, #tpu.memory_space<vmem_shared>>) target_semaphore(%run_scoped3A : memref<!tpu.dma_semaphore, #tpu.memory_space<semaphore_mem>>)
        %dma_wait3A = arith.constant 0 : i32
        %dma_wait3A_56 = arith.constant 0 : i32
        %dma_wait3A_57 = tpu.memref_slice %arg5[%dma_wait3A, %dma_wait3A_56] : memref<80x128xf32, #tpu.memory_space<vmem>> -> memref<16x128xf32, #tpu.memory_space<vmem>>
        %dma_wait3A_58 = arith.constant 0 : i32
        %dma_wait3A_59 = tpu.memref_slice %arg6[%add3A_44, %dma_wait3A_58] : memref<10000x128xf32, #tpu.memory_space<vmem_shared>> -> memref<16x128xf32, #tpu.memory_space<vmem_shared>>
        %dma_wait3A_60 = arith.constant 0 : i32
        %dma_wait3A_61 = tpu.memref_slice %arg6[%add3A_44, %dma_wait3A_60] : memref<10000x128xf32, #tpu.memory_space<vmem_shared>> -> memref<16x128xf32, #tpu.memory_space<vmem_shared>>
        %dma_wait3A_62 = arith.constant 0 : i32
        %dma_wait3A_63 = arith.constant 0 : i32
        %dma_wait3A_64 = tpu.memref_slice %arg5[%dma_wait3A_62, %dma_wait3A_63] : memref<80x128xf32, #tpu.memory_space<vmem>> -> memref<16x128xf32, #tpu.memory_space<vmem>>
        tpu.wait_dma2 semaphore(%run_scoped3A : memref<!tpu.dma_semaphore, #tpu.memory_space<semaphore_mem>>) src(%dma_wait3A_64 : memref<16x128xf32, #tpu.memory_space<vmem>>) dst(%dma_wait3A_61 : memref<16x128xf32, #tpu.memory_space<vmem_shared>>)
        tpu.yield
      }) : () -> ()
      %scan3A_45 = arith.constant 0 : i32
      %scan3A_46 = arith.constant 1 : i32
    } else {
    }
    %scan3A_16 = arith.constant 0 : i32
    %scan3A_17 = arith.constant 0 : i32
    %scan3A_18 = arith.constant 640 : i32
    %scan3A_19 = arith.addi %scan3A_17, %scan3A_18 : i32
    %scan3A_20 = arith.constant 1 : i32
    %scan3A_21 = scf.for %scan3A_38 = %scan3A_17 to %scan3A_19 step %scan3A_20 iter_args(%scan3A_39 = %scan3A_16) -> (i32)  : i32 {
      %jit3A = arith.constant 8 : i32
      %div3A = arith.divsi %scan3A_38, %jit3A : i32
      %sign3A = arith.constant 0 : i32
      %sign3A_40 = arith.cmpi sgt, %scan3A_38, %sign3A : i32
      %sign3A_41 = arith.extui %sign3A_40 : i1 to i32
      %sign3A_42 = arith.constant 0 : i32
      %sign3A_43 = arith.cmpi slt, %scan3A_38, %sign3A_42 : i32
      %sign3A_44 = arith.extui %sign3A_43 : i1 to i32
      %sign3A_45 = arith.subi %sign3A_41, %sign3A_44 : i32
      %sign3A_46 = arith.constant 0 : i32
      %sign3A_47 = arith.cmpi sgt, %jit3A, %sign3A_46 : i32
      %sign3A_48 = arith.extui %sign3A_47 : i1 to i32
      %sign3A_49 = arith.constant 0 : i32
      %sign3A_50 = arith.cmpi slt, %jit3A, %sign3A_49 : i32
      %sign3A_51 = arith.extui %sign3A_50 : i1 to i32
      %sign3A_52 = arith.subi %sign3A_48, %sign3A_51 : i32
      %ne3A = arith.cmpi ne, %sign3A_45, %sign3A_52 : i32
      %rem3A = arith.remsi %scan3A_38, %jit3A : i32
      %ne3A_53 = arith.constant 0 : i32
      %ne3A_54 = arith.cmpi ne, %rem3A, %ne3A_53 : i32
      %and3A = arith.andi %ne3A, %ne3A_54 : i1
      %sub3A = arith.constant 1 : i32
      %sub3A_55 = arith.subi %div3A, %sub3A : i32
      %select_n3A = arith.select %and3A, %sub3A_55, %div3A : i32
      %jit3A_56 = arith.constant 8 : i32
      %eq3A_57 = arith.constant 0 : i32
      %eq3A_58 = arith.cmpi eq, %jit3A_56, %eq3A_57 : i32
      %jit3A_59 = arith.constant 1 : i32
      %select_n3A_60 = arith.select %eq3A_58, %jit3A_59, %jit3A_56 : i32
      %rem3A_61 = arith.remsi %scan3A_38, %select_n3A_60 : i32
      %ne3A_62 = arith.constant 0 : i32
      %ne3A_63 = arith.cmpi ne, %rem3A_61, %ne3A_62 : i32
      %lt3A = arith.constant 0 : i32
      %lt3A_64 = arith.cmpi slt, %rem3A_61, %lt3A : i32
      %lt3A_65 = arith.constant 0 : i32
      %lt3A_66 = arith.cmpi slt, %select_n3A_60, %lt3A_65 : i32
      %ne3A_67 = arith.xori %lt3A_64, %lt3A_66 : i1
      %and3A_68 = arith.andi %ne3A_67, %ne3A_63 : i1
      %add3A_69 = arith.addi %rem3A_61, %select_n3A_60 : i32
      %select_n3A_70 = arith.select %and3A_68, %add3A_69, %rem3A_61 : i32
      %broadcast_in_dim3A = arith.constant 1.000000e+00 : f32
      %broadcast_in_dim3A_71 = vector.broadcast %broadcast_in_dim3A : f32 to vector<16xf32>
      %mul3A_72 = arith.constant 16 : i32
      %mul3A_73 = arith.muli %select_n3A_70, %mul3A_72 : i32
      %swap3A = arith.index_cast %select_n3A : i32 to index
      %swap3A_74 = arith.index_cast %mul3A_73 : i32 to index
      %swap3A_75 = tpu.vector_load %arg5[%swap3A, %swap3A_74] {strides = array<i32>} : memref<80x128xf32, #tpu.memory_space<vmem>>, vector<1x16xf32>,
      %swap3A_76 = vector.shape_cast %swap3A_75 : vector<1x16xf32> to vector<16xf32>
      %swap3A_77 = vector.shape_cast %broadcast_in_dim3A_71 : vector<16xf32> to vector<1x16xf32>
      tpu.vector_store %arg5[%swap3A, %swap3A_74], %swap3A_77 {strides = array<i32>} : memref<80x128xf32, #tpu.memory_space<vmem>>, vector<1x16xf32>,
      %scan3A_78 = arith.constant 0 : i32
      scf.yield %scan3A_78 : i32
    }
    %scan3A_22 = arith.constant 640 : i32
    "tpu.region"() ({
      %run_scoped3A = tpu.sem_alloc : memref<!tpu.dma_semaphore, #tpu.memory_space<semaphore_mem>>
      %dma_start3A = arith.constant 0 : i32
      %dma_start3A_38 = arith.constant 0 : i32
      %dma_start3A_39 = tpu.memref_slice %arg2[%add3A, %dma_start3A, %dma_start3A_38] : memref<32x125x80xi32, #tpu.memory_space<hbm>> -> memref<1x125x80xi32, #tpu.memory_space<hbm>>
      %dma_start3A_40 = tpu.memref_squeeze %dma_start3A_39 : memref<1x125x80xi32, #tpu.memory_space<hbm>> -> memref<125x80xi32, #tpu.memory_space<hbm>>
      %dma_start3A_41 = arith.constant 0 : i32
      %dma_start3A_42 = arith.constant 0 : i32
      %dma_start3A_43 = tpu.memref_slice %arg2[%add3A, %dma_start3A_41, %dma_start3A_42] : memref<32x125x80xi32, #tpu.memory_space<hbm>> -> memref<1x125x80xi32, #tpu.memory_space<hbm>>
      %dma_start3A_44 = tpu.memref_squeeze %dma_start3A_43 : memref<1x125x80xi32, #tpu.memory_space<hbm>> -> memref<125x80xi32, #tpu.memory_space<hbm>>
      tpu.enqueue_dma source(%dma_start3A_44 : memref<125x80xi32, #tpu.memory_space<hbm>>) target(%arg4 : memref<125x80xi32, #tpu.memory_space<vmem>>) target_semaphore(%run_scoped3A : memref<!tpu.dma_semaphore, #tpu.memory_space<semaphore_mem>>)
      %dma_wait3A = arith.constant 0 : i32
      %dma_wait3A_45 = arith.constant 0 : i32
      %dma_wait3A_46 = tpu.memref_slice %arg2[%add3A, %dma_wait3A, %dma_wait3A_45] : memref<32x125x80xi32, #tpu.memory_space<hbm>> -> memref<1x125x80xi32, #tpu.memory_space<hbm>>
      %dma_wait3A_47 = tpu.memref_squeeze %dma_wait3A_46 : memref<1x125x80xi32, #tpu.memory_space<hbm>> -> memref<125x80xi32, #tpu.memory_space<hbm>>
      %dma_wait3A_48 = arith.constant 0 : i32
      %dma_wait3A_49 = arith.constant 0 : i32
      %dma_wait3A_50 = tpu.memref_slice %arg2[%add3A, %dma_wait3A_48, %dma_wait3A_49] : memref<32x125x80xi32, #tpu.memory_space<hbm>> -> memref<1x125x80xi32, #tpu.memory_space<hbm>>
      %dma_wait3A_51 = tpu.memref_squeeze %dma_wait3A_50 : memref<1x125x80xi32, #tpu.memory_space<hbm>> -> memref<125x80xi32, #tpu.memory_space<hbm>>
      tpu.wait_dma2 semaphore(%run_scoped3A : memref<!tpu.dma_semaphore, #tpu.memory_space<semaphore_mem>>) src(%dma_wait3A_51 : memref<125x80xi32, #tpu.memory_space<hbm>>) dst(%arg4 : memref<125x80xi32, #tpu.memory_space<vmem>>)
      tpu.yield
    }) : () -> ()
    %barrier3A = arith.constant 0 : index
    tpu.barrier barrier_id(%barrier3A)
    %scan3A_23 = arith.constant 0 : i32
    %scan3A_24 = arith.constant 0 : i32
    %scan3A_25 = arith.constant 125 : i32
    %scan3A_26 = arith.addi %scan3A_24, %scan3A_25 : i32
    %scan3A_27 = arith.constant 1 : i32
    %scan3A_28 = scf.for %scan3A_38 = %scan3A_24 to %scan3A_26 step %scan3A_27 iter_args(%scan3A_39 = %scan3A_23) -> (i32)  : i32 {
      "tpu.region"() ({
        %run_scoped3A = tpu.sem_alloc : memref<!tpu.dma_semaphore, #tpu.memory_space<semaphore_mem>>
        %dma_start3A = arith.constant 0 : i32
        %dma_start3A_41 = tpu.memref_slice %arg4[%scan3A_38, %dma_start3A] : memref<125x80xi32, #tpu.memory_space<vmem>> -> memref<1x80xi32, #tpu.memory_space<vmem>>
        %dma_start3A_42 = tpu.memref_squeeze %dma_start3A_41 : memref<1x80xi32, #tpu.memory_space<vmem>> -> memref<80xi32, #tpu.memory_space<vmem>>
        %dma_start3A_43 = arith.constant 0 : i32
        %dma_start3A_44 = arith.constant 0 : i32
        %dma_start3A_45 = tpu.memref_slice %arg6[%dma_start3A_43, %dma_start3A_44] : memref<10000x128xf32, #tpu.memory_space<vmem_shared>> -> memref<10000x128xf32, #tpu.memory_space<vmem_shared>>
        tpu.enqueue_indirect_dma source(%arg5 : memref<80x128xf32, #tpu.memory_space<vmem>>) target(%dma_start3A_45 : memref<10000x128xf32, #tpu.memory_space<vmem_shared>>) offsets(%dma_start3A_42 : memref<80xi32, #tpu.memory_space<vmem>>) semaphore(%run_scoped3A : memref<!tpu.dma_semaphore, #tpu.memory_space<semaphore_mem>>) {add = true}
        %dma_wait3A = arith.constant 0 : i32
        %dma_wait3A_46 = tpu.memref_slice %arg4[%scan3A_38, %dma_wait3A] : memref<125x80xi32, #tpu.memory_space<vmem>> -> memref<1x80xi32, #tpu.memory_space<vmem>>
        %dma_wait3A_47 = tpu.memref_squeeze %dma_wait3A_46 : memref<1x80xi32, #tpu.memory_space<vmem>> -> memref<80xi32, #tpu.memory_space<vmem>>
        %dma_wait3A_48 = arith.constant 0 : i32
        %dma_wait3A_49 = arith.constant 0 : i32
        %dma_wait3A_50 = tpu.memref_slice %arg6[%dma_wait3A_48, %dma_wait3A_49] : memref<10000x128xf32, #tpu.memory_space<vmem_shared>> -> memref<10000x128xf32, #tpu.memory_space<vmem_shared>>
        tpu.wait_indirect_dma semaphore(%run_scoped3A : memref<!tpu.dma_semaphore, #tpu.memory_space<semaphore_mem>>) src(%arg5 : memref<80x128xf32, #tpu.memory_space<vmem>>) dst(%dma_wait3A_50 : memref<10000x128xf32, #tpu.memory_space<vmem_shared>>)
        tpu.yield
      }) : () -> ()
      %scan3A_40 = arith.constant 0 : i32
      scf.yield %scan3A_40 : i32
    }
    %scan3A_29 = arith.constant 125 : i32
    %barrier3A_30 = arith.constant 0 : index
    tpu.barrier barrier_id(%barrier3A_30)
    %mul3A_31 = arith.constant 624 : i32
    %mul3A_32 = arith.muli %arg1, %mul3A_31 : i32
    "tpu.region"() ({
      %run_scoped3A = tpu.sem_alloc : memref<!tpu.dma_semaphore, #tpu.memory_space<semaphore_mem>>
      %dma_start3A = arith.constant 0 : i32
      %dma_start3A_38 = tpu.memref_slice %arg3[%arg0, %mul3A_32, %dma_start3A] : memref<2x10000x128xf32, #tpu.memory_space<hbm>> -> memref<1x624x128xf32, #tpu.memory_space<hbm>>
      %dma_start3A_39 = tpu.memref_squeeze %dma_start3A_38 : memref<1x624x128xf32, #tpu.memory_space<hbm>> -> memref<624x128xf32, #tpu.memory_space<hbm>>
      %dma_start3A_40 = arith.constant 0 : i32
      %dma_start3A_41 = tpu.memref_slice %arg6[%mul3A_32, %dma_start3A_40] : memref<10000x128xf32, #tpu.memory_space<vmem_shared>> -> memref<624x128xf32, #tpu.memory_space<vmem_shared>>
      tpu.enqueue_dma source(%dma_start3A_41 : memref<624x128xf32, #tpu.memory_space<vmem_shared>>) target(%dma_start3A_39 : memref<624x128xf32, #tpu.memory_space<hbm>>) target_semaphore(%run_scoped3A : memref<!tpu.dma_semaphore, #tpu.memory_space<semaphore_mem>>)
      %dma_wait3A = arith.constant 0 : i32
      %dma_wait3A_42 = tpu.memref_slice %arg3[%arg0, %mul3A_32, %dma_wait3A] : memref<2x10000x128xf32, #tpu.memory_space<hbm>> -> memref<1x624x128xf32, #tpu.memory_space<hbm>>
      %dma_wait3A_43 = tpu.memref_squeeze %dma_wait3A_42 : memref<1x624x128xf32, #tpu.memory_space<hbm>> -> memref<624x128xf32, #tpu.memory_space<hbm>>
      %dma_wait3A_44 = arith.constant 0 : i32
      %dma_wait3A_45 = tpu.memref_slice %arg6[%mul3A_32, %dma_wait3A_44] : memref<10000x128xf32, #tpu.memory_space<vmem_shared>> -> memref<624x128xf32, #tpu.memory_space<vmem_shared>>
      tpu.wait_dma2 semaphore(%run_scoped3A : memref<!tpu.dma_semaphore, #tpu.memory_space<semaphore_mem>>) src(%dma_wait3A_45 : memref<624x128xf32, #tpu.memory_space<vmem_shared>>) dst(%dma_wait3A_43 : memref<624x128xf32, #tpu.memory_space<hbm>>)
      tpu.yield
    }) : () -> ()
    %eq3A_33 = arith.constant 15 : i32
    %eq3A_34 = arith.cmpi eq, %arg1, %eq3A_33 : i32
    %convert_element_type3A_35 = arith.extui %eq3A_34 : i1 to i32
    %cond3A_36 = arith.constant 0 : i32
    %cond3A_37 = arith.cmpi ne, %convert_element_type3A_35, %cond3A_36 : i32
    scf.if %cond3A_37 {
      "tpu.region"() ({
        %run_scoped3A = tpu.sem_alloc : memref<!tpu.dma_semaphore, #tpu.memory_space<semaphore_mem>>
        %dma_start3A = arith.constant 9984 : i32
        %dma_start3A_38 = arith.constant 0 : i32
        %dma_start3A_39 = tpu.memref_slice %arg3[%arg0, %dma_start3A, %dma_start3A_38] : memref<2x10000x128xf32, #tpu.memory_space<hbm>> -> memref<1x16x128xf32, #tpu.memory_space<hbm>>
        %dma_start3A_40 = tpu.memref_squeeze %dma_start3A_39 : memref<1x16x128xf32, #tpu.memory_space<hbm>> -> memref<16x128xf32, #tpu.memory_space<hbm>>
        %dma_start3A_41 = arith.constant 9984 : i32
        %dma_start3A_42 = arith.constant 0 : i32
        %dma_start3A_43 = tpu.memref_slice %arg6[%dma_start3A_41, %dma_start3A_42] : memref<10000x128xf32, #tpu.memory_space<vmem_shared>> -> memref<16x128xf32, #tpu.memory_space<vmem_shared>>
        tpu.enqueue_dma source(%dma_start3A_43 : memref<16x128xf32, #tpu.memory_space<vmem_shared>>) target(%dma_start3A_40 : memref<16x128xf32, #tpu.memory_space<hbm>>) target_semaphore(%run_scoped3A : memref<!tpu.dma_semaphore, #tpu.memory_space<semaphore_mem>>)
        %dma_wait3A = arith.constant 9984 : i32
        %dma_wait3A_44 = arith.constant 0 : i32
        %dma_wait3A_45 = tpu.memref_slice %arg3[%arg0, %dma_wait3A, %dma_wait3A_44] : memref<2x10000x128xf32, #tpu.memory_space<hbm>> -> memref<1x16x128xf32, #tpu.memory_space<hbm>>
        %dma_wait3A_46 = tpu.memref_squeeze %dma_wait3A_45 : memref<1x16x128xf32, #tpu.memory_space<hbm>> -> memref<16x128xf32, #tpu.memory_space<hbm>>
        %dma_wait3A_47 = arith.constant 9984 : i32
        %dma_wait3A_48 = arith.constant 0 : i32
        %dma_wait3A_49 = tpu.memref_slice %arg6[%dma_wait3A_47, %dma_wait3A_48] : memref<10000x128xf32, #tpu.memory_space<vmem_shared>> -> memref<16x128xf32, #tpu.memory_space<vmem_shared>>
        tpu.wait_dma2 semaphore(%run_scoped3A : memref<!tpu.dma_semaphore, #tpu.memory_space<semaphore_mem>>) src(%dma_wait3A_49 : memref<16x128xf32, #tpu.memory_space<vmem_shared>>) dst(%dma_wait3A_46 : memref<16x128xf32, #tpu.memory_space<hbm>>)
        tpu.yield
      }) : () -> ()
    } else {
    }
    return
  }
}

#map = affine_map<(d0, d1) -> (0, 0)>
#map1 = affine_map<(d0, d1) -> (0)>
#map2 = affine_map<(d0, d1) -> (0, 0, 0)>
module attributes {stable_mosaic.version = 14 : i64} {
  func.func @agg(%arg0: i32, %arg1: i32, %arg2: memref<10000x128xf32, #tpu.memory_space<hbm>>, %arg3: memref<320000xi32, #tpu.memory_space<hbm>>, %arg4: memref<32x125x80xi32, #tpu.memory_space<hbm>>, %arg5: memref<2x10000x128xf32, #tpu.memory_space<hbm>>, %arg6: memref<10000xi32, #tpu.memory_space<vmem>>, %arg7: memref<125x80xi32, #tpu.memory_space<vmem>>, %arg8: memref<2x80x128xf32, #tpu.memory_space<vmem>>, %arg9: memref<10000x128xf32, #tpu.memory_space<vmem_shared>>, %arg10: memref<!tpu.dma_semaphore, #tpu.memory_space<semaphore_mem>>) attributes {dimension_semantics = [#tpu.dimension_semantics<core_parallel>, #tpu.dimension_semantics<subcore_parallel>], iteration_bounds = array<i64: 2, 16>, scalar_prefetch = 0 : i64, scratch_operands = 5 : i64, tpu.core_type = #tpu.core_type<sc_vector_subcore>, window_params = [{transform_indices = #map}, {transform_indices = #map1}, {transform_indices = #map2}, {transform_indices = #map2}]} {
    %mul3A = arith.constant 2 : i32
    %mul3A_0 = arith.muli %arg1, %mul3A : i32
    %add3A = arith.addi %mul3A_0, %arg0 : i32
    %scan3A = arith.constant 0 : i32
    %scan3A_1 = arith.constant 0 : i32
    %scan3A_2 = arith.constant 0 : i32
    %scan3A_3 = arith.constant 128 : i32
    %scan3A_4 = arith.addi %scan3A_2, %scan3A_3 : i32
    %scan3A_5 = arith.constant 1 : i32
    %scan3A_6 = scf.for %scan3A_43 = %scan3A_2 to %scan3A_4 step %scan3A_5 iter_args(%scan3A_44 = %scan3A_1) -> (i32)  : i32 {
      %jit3A = arith.constant 8 : i32
      %div3A = arith.divsi %scan3A_43, %jit3A : i32
      %sign3A = arith.constant 0 : i32
      %sign3A_45 = arith.cmpi sgt, %scan3A_43, %sign3A : i32
      %sign3A_46 = arith.extui %sign3A_45 : i1 to i32
      %sign3A_47 = arith.constant 0 : i32
      %sign3A_48 = arith.cmpi slt, %scan3A_43, %sign3A_47 : i32
      %sign3A_49 = arith.extui %sign3A_48 : i1 to i32
      %sign3A_50 = arith.subi %sign3A_46, %sign3A_49 : i32
      %sign3A_51 = arith.constant 0 : i32
      %sign3A_52 = arith.cmpi sgt, %jit3A, %sign3A_51 : i32
      %sign3A_53 = arith.extui %sign3A_52 : i1 to i32
      %sign3A_54 = arith.constant 0 : i32
      %sign3A_55 = arith.cmpi slt, %jit3A, %sign3A_54 : i32
      %sign3A_56 = arith.extui %sign3A_55 : i1 to i32
      %sign3A_57 = arith.subi %sign3A_53, %sign3A_56 : i32
      %ne3A = arith.cmpi ne, %sign3A_50, %sign3A_57 : i32
      %rem3A = arith.remsi %scan3A_43, %jit3A : i32
      %ne3A_58 = arith.constant 0 : i32
      %ne3A_59 = arith.cmpi ne, %rem3A, %ne3A_58 : i32
      %and3A = arith.andi %ne3A, %ne3A_59 : i1
      %sub3A = arith.constant 1 : i32
      %sub3A_60 = arith.subi %div3A, %sub3A : i32
      %select_n3A = arith.select %and3A, %sub3A_60, %div3A : i32
      %jit3A_61 = arith.constant 8 : i32
      %eq3A_62 = arith.constant 0 : i32
      %eq3A_63 = arith.cmpi eq, %jit3A_61, %eq3A_62 : i32
      %jit3A_64 = arith.constant 1 : i32
      %select_n3A_65 = arith.select %eq3A_63, %jit3A_64, %jit3A_61 : i32
      %rem3A_66 = arith.remsi %scan3A_43, %select_n3A_65 : i32
      %ne3A_67 = arith.constant 0 : i32
      %ne3A_68 = arith.cmpi ne, %rem3A_66, %ne3A_67 : i32
      %lt3A = arith.constant 0 : i32
      %lt3A_69 = arith.cmpi slt, %rem3A_66, %lt3A : i32
      %lt3A_70 = arith.constant 0 : i32
      %lt3A_71 = arith.cmpi slt, %select_n3A_65, %lt3A_70 : i32
      %ne3A_72 = arith.xori %lt3A_69, %lt3A_71 : i1
      %and3A_73 = arith.andi %ne3A_72, %ne3A_68 : i1
      %add3A_74 = arith.addi %rem3A_66, %select_n3A_65 : i32
      %select_n3A_75 = arith.select %and3A_73, %add3A_74, %rem3A_66 : i32
      %broadcast_in_dim3A = arith.constant 0.000000e+00 : f32
      %broadcast_in_dim3A_76 = vector.broadcast %broadcast_in_dim3A : f32 to vector<16xf32>
      %mul3A_77 = arith.constant 16 : i32
      %mul3A_78 = arith.muli %select_n3A_75, %mul3A_77 : i32
      %swap3A = arith.constant 0 : i32
      %swap3A_79 = arith.constant 0 : i32
      %swap3A_80 = tpu.memref_slice %arg8[%scan3A, %swap3A, %swap3A_79] : memref<2x80x128xf32, #tpu.memory_space<vmem>> -> memref<1x80x128xf32, #tpu.memory_space<vmem>>
      %swap3A_81 = tpu.memref_squeeze %swap3A_80 : memref<1x80x128xf32, #tpu.memory_space<vmem>> -> memref<80x128xf32, #tpu.memory_space<vmem>>
      %swap3A_82 = arith.index_cast %select_n3A : i32 to index
      %swap3A_83 = arith.index_cast %mul3A_78 : i32 to index
      %swap3A_84 = tpu.vector_load %swap3A_81[%swap3A_82, %swap3A_83] {strides = array<i32>} : memref<80x128xf32, #tpu.memory_space<vmem>>, vector<1x16xf32>,
      %swap3A_85 = vector.shape_cast %swap3A_84 : vector<1x16xf32> to vector<16xf32>
      %swap3A_86 = vector.shape_cast %broadcast_in_dim3A_76 : vector<16xf32> to vector<1x16xf32>
      tpu.vector_store %swap3A_81[%swap3A_82, %swap3A_83], %swap3A_86 {strides = array<i32>} : memref<80x128xf32, #tpu.memory_space<vmem>>, vector<1x16xf32>,
      %scan3A_87 = arith.constant 0 : i32
      scf.yield %scan3A_87 : i32
    }
    %scan3A_7 = arith.constant 128 : i32
    %scan3A_8 = arith.constant 0 : i32
    %scan3A_9 = arith.constant 0 : i32
    %scan3A_10 = arith.constant 39 : i32
    %scan3A_11 = arith.addi %scan3A_9, %scan3A_10 : i32
    %scan3A_12 = arith.constant 1 : i32
    %scan3A_13 = scf.for %scan3A_43 = %scan3A_9 to %scan3A_11 step %scan3A_12 iter_args(%scan3A_44 = %scan3A_8) -> (i32)  : i32 {
      %mul3A_45 = arith.constant 624 : i32
      %mul3A_46 = arith.muli %arg1, %mul3A_45 : i32
      %mul3A_47 = arith.constant 16 : i32
      %mul3A_48 = arith.muli %scan3A_43, %mul3A_47 : i32
      %add3A_49 = arith.addi %mul3A_46, %mul3A_48 : i32
      %run_scoped3A = arith.constant 0 : i32
      "tpu.region"() ({
        %run_scoped3A_51 = tpu.sem_alloc : memref<!tpu.dma_semaphore, #tpu.memory_space<semaphore_mem>>
        %dma_start3A_52 = arith.constant 0 : i32
        %dma_start3A_53 = arith.constant 0 : i32
        %dma_start3A_54 = tpu.memref_slice %arg8[%run_scoped3A, %dma_start3A_52, %dma_start3A_53] : memref<2x80x128xf32, #tpu.memory_space<vmem>> -> memref<1x16x128xf32, #tpu.memory_space<vmem>>
        %dma_start3A_55 = tpu.memref_squeeze %dma_start3A_54 : memref<1x16x128xf32, #tpu.memory_space<vmem>> -> memref<16x128xf32, #tpu.memory_space<vmem>>
        %dma_start3A_56 = arith.constant 0 : i32
        %dma_start3A_57 = tpu.memref_slice %arg9[%add3A_49, %dma_start3A_56] : memref<10000x128xf32, #tpu.memory_space<vmem_shared>> -> memref<16x128xf32, #tpu.memory_space<vmem_shared>>
        %dma_start3A_58 = arith.constant 0 : i32
        %dma_start3A_59 = tpu.memref_slice %arg9[%add3A_49, %dma_start3A_58] : memref<10000x128xf32, #tpu.memory_space<vmem_shared>> -> memref<16x128xf32, #tpu.memory_space<vmem_shared>>
        %dma_start3A_60 = arith.constant 0 : i32
        %dma_start3A_61 = arith.constant 0 : i32
        %dma_start3A_62 = tpu.memref_slice %arg8[%run_scoped3A, %dma_start3A_60, %dma_start3A_61] : memref<2x80x128xf32, #tpu.memory_space<vmem>> -> memref<1x16x128xf32, #tpu.memory_space<vmem>>
        %dma_start3A_63 = tpu.memref_squeeze %dma_start3A_62 : memref<1x16x128xf32, #tpu.memory_space<vmem>> -> memref<16x128xf32, #tpu.memory_space<vmem>>
        tpu.enqueue_dma source(%dma_start3A_63 : memref<16x128xf32, #tpu.memory_space<vmem>>) target(%dma_start3A_59 : memref<16x128xf32, #tpu.memory_space<vmem_shared>>) target_semaphore(%run_scoped3A_51 : memref<!tpu.dma_semaphore, #tpu.memory_space<semaphore_mem>>)
        %dma_wait3A = arith.constant 0 : i32
        %dma_wait3A_64 = arith.constant 0 : i32
        %dma_wait3A_65 = tpu.memref_slice %arg8[%run_scoped3A, %dma_wait3A, %dma_wait3A_64] : memref<2x80x128xf32, #tpu.memory_space<vmem>> -> memref<1x16x128xf32, #tpu.memory_space<vmem>>
        %dma_wait3A_66 = tpu.memref_squeeze %dma_wait3A_65 : memref<1x16x128xf32, #tpu.memory_space<vmem>> -> memref<16x128xf32, #tpu.memory_space<vmem>>
        %dma_wait3A_67 = arith.constant 0 : i32
        %dma_wait3A_68 = tpu.memref_slice %arg9[%add3A_49, %dma_wait3A_67] : memref<10000x128xf32, #tpu.memory_space<vmem_shared>> -> memref<16x128xf32, #tpu.memory_space<vmem_shared>>
        %dma_wait3A_69 = arith.constant 0 : i32
        %dma_wait3A_70 = tpu.memref_slice %arg9[%add3A_49, %dma_wait3A_69] : memref<10000x128xf32, #tpu.memory_space<vmem_shared>> -> memref<16x128xf32, #tpu.memory_space<vmem_shared>>
        %dma_wait3A_71 = arith.constant 0 : i32
        %dma_wait3A_72 = arith.constant 0 : i32
        %dma_wait3A_73 = tpu.memref_slice %arg8[%run_scoped3A, %dma_wait3A_71, %dma_wait3A_72] : memref<2x80x128xf32, #tpu.memory_space<vmem>> -> memref<1x16x128xf32, #tpu.memory_space<vmem>>
        %dma_wait3A_74 = tpu.memref_squeeze %dma_wait3A_73 : memref<1x16x128xf32, #tpu.memory_space<vmem>> -> memref<16x128xf32, #tpu.memory_space<vmem>>
        tpu.wait_dma2 semaphore(%run_scoped3A_51 : memref<!tpu.dma_semaphore, #tpu.memory_space<semaphore_mem>>) src(%dma_wait3A_74 : memref<16x128xf32, #tpu.memory_space<vmem>>) dst(%dma_wait3A_70 : memref<16x128xf32, #tpu.memory_space<vmem_shared>>)
        tpu.yield
      }) : () -> ()
      %scan3A_50 = arith.constant 0 : i32
      scf.yield %scan3A_50 : i32
    }
    %scan3A_14 = arith.constant 39 : i32
    %eq3A = arith.constant 15 : i32
    %eq3A_15 = arith.cmpi eq, %arg1, %eq3A : i32
    %convert_element_type3A = arith.extui %eq3A_15 : i1 to i32
    %cond3A = arith.constant 0 : i32
    %cond3A_16 = arith.cmpi ne, %convert_element_type3A, %cond3A : i32
    scf.if %cond3A_16 {
      %scan3A_43 = arith.constant 0 : i32
      %scan3A_44 = arith.constant 39 : i32
      %mul3A_45 = arith.constant 624 : i32
      %mul3A_46 = arith.muli %arg1, %mul3A_45 : i32
      %mul3A_47 = arith.constant 16 : i32
      %mul3A_48 = arith.muli %scan3A_44, %mul3A_47 : i32
      %add3A_49 = arith.addi %mul3A_46, %mul3A_48 : i32
      %run_scoped3A = arith.constant 0 : i32
      "tpu.region"() ({
        %run_scoped3A_52 = tpu.sem_alloc : memref<!tpu.dma_semaphore, #tpu.memory_space<semaphore_mem>>
        %dma_start3A_53 = arith.constant 0 : i32
        %dma_start3A_54 = arith.constant 0 : i32
        %dma_start3A_55 = tpu.memref_slice %arg8[%run_scoped3A, %dma_start3A_53, %dma_start3A_54] : memref<2x80x128xf32, #tpu.memory_space<vmem>> -> memref<1x16x128xf32, #tpu.memory_space<vmem>>
        %dma_start3A_56 = tpu.memref_squeeze %dma_start3A_55 : memref<1x16x128xf32, #tpu.memory_space<vmem>> -> memref<16x128xf32, #tpu.memory_space<vmem>>
        %dma_start3A_57 = arith.constant 0 : i32
        %dma_start3A_58 = tpu.memref_slice %arg9[%add3A_49, %dma_start3A_57] : memref<10000x128xf32, #tpu.memory_space<vmem_shared>> -> memref<16x128xf32, #tpu.memory_space<vmem_shared>>
        %dma_start3A_59 = arith.constant 0 : i32
        %dma_start3A_60 = tpu.memref_slice %arg9[%add3A_49, %dma_start3A_59] : memref<10000x128xf32, #tpu.memory_space<vmem_shared>> -> memref<16x128xf32, #tpu.memory_space<vmem_shared>>
        %dma_start3A_61 = arith.constant 0 : i32
        %dma_start3A_62 = arith.constant 0 : i32
        %dma_start3A_63 = tpu.memref_slice %arg8[%run_scoped3A, %dma_start3A_61, %dma_start3A_62] : memref<2x80x128xf32, #tpu.memory_space<vmem>> -> memref<1x16x128xf32, #tpu.memory_space<vmem>>
        %dma_start3A_64 = tpu.memref_squeeze %dma_start3A_63 : memref<1x16x128xf32, #tpu.memory_space<vmem>> -> memref<16x128xf32, #tpu.memory_space<vmem>>
        tpu.enqueue_dma source(%dma_start3A_64 : memref<16x128xf32, #tpu.memory_space<vmem>>) target(%dma_start3A_60 : memref<16x128xf32, #tpu.memory_space<vmem_shared>>) target_semaphore(%run_scoped3A_52 : memref<!tpu.dma_semaphore, #tpu.memory_space<semaphore_mem>>)
        %dma_wait3A = arith.constant 0 : i32
        %dma_wait3A_65 = arith.constant 0 : i32
        %dma_wait3A_66 = tpu.memref_slice %arg8[%run_scoped3A, %dma_wait3A, %dma_wait3A_65] : memref<2x80x128xf32, #tpu.memory_space<vmem>> -> memref<1x16x128xf32, #tpu.memory_space<vmem>>
        %dma_wait3A_67 = tpu.memref_squeeze %dma_wait3A_66 : memref<1x16x128xf32, #tpu.memory_space<vmem>> -> memref<16x128xf32, #tpu.memory_space<vmem>>
        %dma_wait3A_68 = arith.constant 0 : i32
        %dma_wait3A_69 = tpu.memref_slice %arg9[%add3A_49, %dma_wait3A_68] : memref<10000x128xf32, #tpu.memory_space<vmem_shared>> -> memref<16x128xf32, #tpu.memory_space<vmem_shared>>
        %dma_wait3A_70 = arith.constant 0 : i32
        %dma_wait3A_71 = tpu.memref_slice %arg9[%add3A_49, %dma_wait3A_70] : memref<10000x128xf32, #tpu.memory_space<vmem_shared>> -> memref<16x128xf32, #tpu.memory_space<vmem_shared>>
        %dma_wait3A_72 = arith.constant 0 : i32
        %dma_wait3A_73 = arith.constant 0 : i32
        %dma_wait3A_74 = tpu.memref_slice %arg8[%run_scoped3A, %dma_wait3A_72, %dma_wait3A_73] : memref<2x80x128xf32, #tpu.memory_space<vmem>> -> memref<1x16x128xf32, #tpu.memory_space<vmem>>
        %dma_wait3A_75 = tpu.memref_squeeze %dma_wait3A_74 : memref<1x16x128xf32, #tpu.memory_space<vmem>> -> memref<16x128xf32, #tpu.memory_space<vmem>>
        tpu.wait_dma2 semaphore(%run_scoped3A_52 : memref<!tpu.dma_semaphore, #tpu.memory_space<semaphore_mem>>) src(%dma_wait3A_75 : memref<16x128xf32, #tpu.memory_space<vmem>>) dst(%dma_wait3A_71 : memref<16x128xf32, #tpu.memory_space<vmem_shared>>)
        tpu.yield
      }) : () -> ()
      %scan3A_50 = arith.constant 0 : i32
      %scan3A_51 = arith.constant 1 : i32
    } else {
    }
    %mul3A_17 = arith.constant 10000 : i32
    %mul3A_18 = arith.muli %add3A, %mul3A_17 : i32
    "tpu.region"() ({
      %run_scoped3A = tpu.sem_alloc : memref<!tpu.dma_semaphore, #tpu.memory_space<semaphore_mem>>
      %dma_start3A_43 = tpu.memref_slice %arg3[%mul3A_18] : memref<320000xi32, #tpu.memory_space<hbm>> -> memref<10000xi32, #tpu.memory_space<hbm>>
      %dma_start3A_44 = tpu.memref_slice %arg3[%mul3A_18] : memref<320000xi32, #tpu.memory_space<hbm>> -> memref<10000xi32, #tpu.memory_space<hbm>>
      tpu.enqueue_dma source(%dma_start3A_44 : memref<10000xi32, #tpu.memory_space<hbm>>) target(%arg6 : memref<10000xi32, #tpu.memory_space<vmem>>) target_semaphore(%run_scoped3A : memref<!tpu.dma_semaphore, #tpu.memory_space<semaphore_mem>>)
      %dma_wait3A = tpu.memref_slice %arg3[%mul3A_18] : memref<320000xi32, #tpu.memory_space<hbm>> -> memref<10000xi32, #tpu.memory_space<hbm>>
      %dma_wait3A_45 = tpu.memref_slice %arg3[%mul3A_18] : memref<320000xi32, #tpu.memory_space<hbm>> -> memref<10000xi32, #tpu.memory_space<hbm>>
      tpu.wait_dma2 semaphore(%run_scoped3A : memref<!tpu.dma_semaphore, #tpu.memory_space<semaphore_mem>>) src(%dma_wait3A_45 : memref<10000xi32, #tpu.memory_space<hbm>>) dst(%arg6 : memref<10000xi32, #tpu.memory_space<vmem>>)
      tpu.yield
    }) : () -> ()
    "tpu.region"() ({
      %run_scoped3A = tpu.sem_alloc : memref<!tpu.dma_semaphore, #tpu.memory_space<semaphore_mem>>
      %dma_start3A_43 = arith.constant 0 : i32
      %dma_start3A_44 = arith.constant 0 : i32
      %dma_start3A_45 = tpu.memref_slice %arg4[%add3A, %dma_start3A_43, %dma_start3A_44] : memref<32x125x80xi32, #tpu.memory_space<hbm>> -> memref<1x125x80xi32, #tpu.memory_space<hbm>>
      %dma_start3A_46 = tpu.memref_squeeze %dma_start3A_45 : memref<1x125x80xi32, #tpu.memory_space<hbm>> -> memref<125x80xi32, #tpu.memory_space<hbm>>
      %dma_start3A_47 = arith.constant 0 : i32
      %dma_start3A_48 = arith.constant 0 : i32
      %dma_start3A_49 = tpu.memref_slice %arg4[%add3A, %dma_start3A_47, %dma_start3A_48] : memref<32x125x80xi32, #tpu.memory_space<hbm>> -> memref<1x125x80xi32, #tpu.memory_space<hbm>>
      %dma_start3A_50 = tpu.memref_squeeze %dma_start3A_49 : memref<1x125x80xi32, #tpu.memory_space<hbm>> -> memref<125x80xi32, #tpu.memory_space<hbm>>
      tpu.enqueue_dma source(%dma_start3A_50 : memref<125x80xi32, #tpu.memory_space<hbm>>) target(%arg7 : memref<125x80xi32, #tpu.memory_space<vmem>>) target_semaphore(%run_scoped3A : memref<!tpu.dma_semaphore, #tpu.memory_space<semaphore_mem>>)
      %dma_wait3A = arith.constant 0 : i32
      %dma_wait3A_51 = arith.constant 0 : i32
      %dma_wait3A_52 = tpu.memref_slice %arg4[%add3A, %dma_wait3A, %dma_wait3A_51] : memref<32x125x80xi32, #tpu.memory_space<hbm>> -> memref<1x125x80xi32, #tpu.memory_space<hbm>>
      %dma_wait3A_53 = tpu.memref_squeeze %dma_wait3A_52 : memref<1x125x80xi32, #tpu.memory_space<hbm>> -> memref<125x80xi32, #tpu.memory_space<hbm>>
      %dma_wait3A_54 = arith.constant 0 : i32
      %dma_wait3A_55 = arith.constant 0 : i32
      %dma_wait3A_56 = tpu.memref_slice %arg4[%add3A, %dma_wait3A_54, %dma_wait3A_55] : memref<32x125x80xi32, #tpu.memory_space<hbm>> -> memref<1x125x80xi32, #tpu.memory_space<hbm>>
      %dma_wait3A_57 = tpu.memref_squeeze %dma_wait3A_56 : memref<1x125x80xi32, #tpu.memory_space<hbm>> -> memref<125x80xi32, #tpu.memory_space<hbm>>
      tpu.wait_dma2 semaphore(%run_scoped3A : memref<!tpu.dma_semaphore, #tpu.memory_space<semaphore_mem>>) src(%dma_wait3A_57 : memref<125x80xi32, #tpu.memory_space<hbm>>) dst(%arg7 : memref<125x80xi32, #tpu.memory_space<vmem>>)
      tpu.yield
    }) : () -> ()
    %barrier3A = arith.constant 0 : index
    tpu.barrier barrier_id(%barrier3A)
    %dma_start3A = arith.constant 0 : i32
    %dma_start3A_19 = arith.constant 0 : i32
    %dma_start3A_20 = arith.constant 0 : i32
    %dma_start3A_21 = tpu.memref_slice %arg8[%dma_start3A, %dma_start3A_19, %dma_start3A_20] : memref<2x80x128xf32, #tpu.memory_space<vmem>> -> memref<1x80x128xf32, #tpu.memory_space<vmem>>
    %dma_start3A_22 = tpu.memref_squeeze %dma_start3A_21 : memref<1x80x128xf32, #tpu.memory_space<vmem>> -> memref<80x128xf32, #tpu.memory_space<vmem>>
    %dma_start3A_23 = arith.constant 0 : i32
    %dma_start3A_24 = tpu.memref_slice %arg6[%dma_start3A_23] : memref<10000xi32, #tpu.memory_space<vmem>> -> memref<80xi32, #tpu.memory_space<vmem>>
    %dma_start3A_25 = arith.constant 0 : i32
    %dma_start3A_26 = arith.constant 0 : i32
    %dma_start3A_27 = tpu.memref_slice %arg2[%dma_start3A_25, %dma_start3A_26] : memref<10000x128xf32, #tpu.memory_space<hbm>> -> memref<10000x128xf32, #tpu.memory_space<hbm>>
    tpu.enqueue_indirect_dma source(%dma_start3A_27 : memref<10000x128xf32, #tpu.memory_space<hbm>>) target(%dma_start3A_22 : memref<80x128xf32, #tpu.memory_space<vmem>>) offsets(%dma_start3A_24 : memref<80xi32, #tpu.memory_space<vmem>>) semaphore(%arg10 : memref<!tpu.dma_semaphore, #tpu.memory_space<semaphore_mem>>)
    %scan3A_28 = arith.constant 0 : i32
    %scan3A_29 = arith.constant 0 : i32
    %scan3A_30 = arith.constant 125 : i32
    %scan3A_31 = arith.addi %scan3A_29, %scan3A_30 : i32
    %scan3A_32 = arith.constant 1 : i32
    %scan3A_33 = scf.for %scan3A_43 = %scan3A_29 to %scan3A_31 step %scan3A_32 iter_args(%scan3A_44 = %scan3A_28) -> (i32)  : i32 {
      %rem3A = arith.constant 2 : i32
      %rem3A_45 = arith.remsi %scan3A_43, %rem3A : i32
      %mul3A_46 = arith.constant 80 : i32
      %mul3A_47 = arith.muli %scan3A_43, %mul3A_46 : i32
      %dma_wait3A = arith.constant 0 : i32
      %dma_wait3A_48 = arith.constant 0 : i32
      %dma_wait3A_49 = tpu.memref_slice %arg8[%rem3A_45, %dma_wait3A, %dma_wait3A_48] : memref<2x80x128xf32, #tpu.memory_space<vmem>> -> memref<1x80x128xf32, #tpu.memory_space<vmem>>
      %dma_wait3A_50 = tpu.memref_squeeze %dma_wait3A_49 : memref<1x80x128xf32, #tpu.memory_space<vmem>> -> memref<80x128xf32, #tpu.memory_space<vmem>>
      %dma_wait3A_51 = tpu.memref_slice %arg6[%mul3A_47] : memref<10000xi32, #tpu.memory_space<vmem>> -> memref<80xi32, #tpu.memory_space<vmem>>
      %dma_wait3A_52 = arith.constant 0 : i32
      %dma_wait3A_53 = arith.constant 0 : i32
      %dma_wait3A_54 = tpu.memref_slice %arg2[%dma_wait3A_52, %dma_wait3A_53] : memref<10000x128xf32, #tpu.memory_space<hbm>> -> memref<10000x128xf32, #tpu.memory_space<hbm>>
      tpu.wait_indirect_dma semaphore(%arg10 : memref<!tpu.dma_semaphore, #tpu.memory_space<semaphore_mem>>) src(%dma_wait3A_54 : memref<10000x128xf32, #tpu.memory_space<hbm>>) dst(%dma_wait3A_50 : memref<80x128xf32, #tpu.memory_space<vmem>>)
      %add3A_55 = arith.constant 1 : i32
      %add3A_56 = arith.addi %scan3A_43, %add3A_55 : i32
      %lt3A = arith.constant 125 : i32
      %lt3A_57 = arith.cmpi slt, %add3A_56, %lt3A : i32
      %convert_element_type3A_58 = arith.extui %lt3A_57 : i1 to i32
      %cond3A_59 = arith.constant 0 : i32
      %cond3A_60 = arith.cmpi ne, %convert_element_type3A_58, %cond3A_59 : i32
      scf.if %cond3A_60 {
        %add3A_62 = arith.constant 1 : i32
        %add3A_63 = arith.addi %scan3A_43, %add3A_62 : i32
        %mul3A_64 = arith.constant 80 : i32
        %mul3A_65 = arith.muli %add3A_63, %mul3A_64 : i32
        %sub3A = arith.constant 1 : i32
        %sub3A_66 = arith.subi %sub3A, %rem3A_45 : i32
        %dma_start3A_67 = arith.constant 0 : i32
        %dma_start3A_68 = arith.constant 0 : i32
        %dma_start3A_69 = tpu.memref_slice %arg8[%sub3A_66, %dma_start3A_67, %dma_start3A_68] : memref<2x80x128xf32, #tpu.memory_space<vmem>> -> memref<1x80x128xf32, #tpu.memory_space<vmem>>
        %dma_start3A_70 = tpu.memref_squeeze %dma_start3A_69 : memref<1x80x128xf32, #tpu.memory_space<vmem>> -> memref<80x128xf32, #tpu.memory_space<vmem>>
        %dma_start3A_71 = tpu.memref_slice %arg6[%mul3A_65] : memref<10000xi32, #tpu.memory_space<vmem>> -> memref<80xi32, #tpu.memory_space<vmem>>
        %dma_start3A_72 = arith.constant 0 : i32
        %dma_start3A_73 = arith.constant 0 : i32
        %dma_start3A_74 = tpu.memref_slice %arg2[%dma_start3A_72, %dma_start3A_73] : memref<10000x128xf32, #tpu.memory_space<hbm>> -> memref<10000x128xf32, #tpu.memory_space<hbm>>
        tpu.enqueue_indirect_dma source(%dma_start3A_74 : memref<10000x128xf32, #tpu.memory_space<hbm>>) target(%dma_start3A_70 : memref<80x128xf32, #tpu.memory_space<vmem>>) offsets(%dma_start3A_71 : memref<80xi32, #tpu.memory_space<vmem>>) semaphore(%arg10 : memref<!tpu.dma_semaphore, #tpu.memory_space<semaphore_mem>>)
      } else {
      }
      "tpu.region"() ({
        %run_scoped3A = tpu.sem_alloc : memref<!tpu.dma_semaphore, #tpu.memory_space<semaphore_mem>>
        %dma_start3A_62 = arith.constant 0 : i32
        %dma_start3A_63 = arith.constant 0 : i32
        %dma_start3A_64 = tpu.memref_slice %arg8[%rem3A_45, %dma_start3A_62, %dma_start3A_63] : memref<2x80x128xf32, #tpu.memory_space<vmem>> -> memref<1x80x128xf32, #tpu.memory_space<vmem>>
        %dma_start3A_65 = tpu.memref_squeeze %dma_start3A_64 : memref<1x80x128xf32, #tpu.memory_space<vmem>> -> memref<80x128xf32, #tpu.memory_space<vmem>>
        %dma_start3A_66 = arith.constant 0 : i32
        %dma_start3A_67 = tpu.memref_slice %arg7[%scan3A_43, %dma_start3A_66] : memref<125x80xi32, #tpu.memory_space<vmem>> -> memref<1x80xi32, #tpu.memory_space<vmem>>
        %dma_start3A_68 = tpu.memref_squeeze %dma_start3A_67 : memref<1x80xi32, #tpu.memory_space<vmem>> -> memref<80xi32, #tpu.memory_space<vmem>>
        %dma_start3A_69 = arith.constant 0 : i32
        %dma_start3A_70 = arith.constant 0 : i32
        %dma_start3A_71 = tpu.memref_slice %arg9[%dma_start3A_69, %dma_start3A_70] : memref<10000x128xf32, #tpu.memory_space<vmem_shared>> -> memref<10000x128xf32, #tpu.memory_space<vmem_shared>>
        tpu.enqueue_indirect_dma source(%dma_start3A_65 : memref<80x128xf32, #tpu.memory_space<vmem>>) target(%dma_start3A_71 : memref<10000x128xf32, #tpu.memory_space<vmem_shared>>) offsets(%dma_start3A_68 : memref<80xi32, #tpu.memory_space<vmem>>) semaphore(%run_scoped3A : memref<!tpu.dma_semaphore, #tpu.memory_space<semaphore_mem>>) {add = true}
        %dma_wait3A_72 = arith.constant 0 : i32
        %dma_wait3A_73 = arith.constant 0 : i32
        %dma_wait3A_74 = tpu.memref_slice %arg8[%rem3A_45, %dma_wait3A_72, %dma_wait3A_73] : memref<2x80x128xf32, #tpu.memory_space<vmem>> -> memref<1x80x128xf32, #tpu.memory_space<vmem>>
        %dma_wait3A_75 = tpu.memref_squeeze %dma_wait3A_74 : memref<1x80x128xf32, #tpu.memory_space<vmem>> -> memref<80x128xf32, #tpu.memory_space<vmem>>
        %dma_wait3A_76 = arith.constant 0 : i32
        %dma_wait3A_77 = tpu.memref_slice %arg7[%scan3A_43, %dma_wait3A_76] : memref<125x80xi32, #tpu.memory_space<vmem>> -> memref<1x80xi32, #tpu.memory_space<vmem>>
        %dma_wait3A_78 = tpu.memref_squeeze %dma_wait3A_77 : memref<1x80xi32, #tpu.memory_space<vmem>> -> memref<80xi32, #tpu.memory_space<vmem>>
        %dma_wait3A_79 = arith.constant 0 : i32
        %dma_wait3A_80 = arith.constant 0 : i32
        %dma_wait3A_81 = tpu.memref_slice %arg9[%dma_wait3A_79, %dma_wait3A_80] : memref<10000x128xf32, #tpu.memory_space<vmem_shared>> -> memref<10000x128xf32, #tpu.memory_space<vmem_shared>>
        tpu.wait_indirect_dma semaphore(%run_scoped3A : memref<!tpu.dma_semaphore, #tpu.memory_space<semaphore_mem>>) src(%dma_wait3A_75 : memref<80x128xf32, #tpu.memory_space<vmem>>) dst(%dma_wait3A_81 : memref<10000x128xf32, #tpu.memory_space<vmem_shared>>)
        tpu.yield
      }) : () -> ()
      %scan3A_61 = arith.constant 0 : i32
      scf.yield %scan3A_61 : i32
    }
    %scan3A_34 = arith.constant 125 : i32
    %barrier3A_35 = arith.constant 0 : index
    tpu.barrier barrier_id(%barrier3A_35)
    %mul3A_36 = arith.constant 624 : i32
    %mul3A_37 = arith.muli %arg1, %mul3A_36 : i32
    "tpu.region"() ({
      %run_scoped3A = tpu.sem_alloc : memref<!tpu.dma_semaphore, #tpu.memory_space<semaphore_mem>>
      %dma_start3A_43 = arith.constant 0 : i32
      %dma_start3A_44 = tpu.memref_slice %arg5[%arg0, %mul3A_37, %dma_start3A_43] : memref<2x10000x128xf32, #tpu.memory_space<hbm>> -> memref<1x624x128xf32, #tpu.memory_space<hbm>>
      %dma_start3A_45 = tpu.memref_squeeze %dma_start3A_44 : memref<1x624x128xf32, #tpu.memory_space<hbm>> -> memref<624x128xf32, #tpu.memory_space<hbm>>
      %dma_start3A_46 = arith.constant 0 : i32
      %dma_start3A_47 = tpu.memref_slice %arg9[%mul3A_37, %dma_start3A_46] : memref<10000x128xf32, #tpu.memory_space<vmem_shared>> -> memref<624x128xf32, #tpu.memory_space<vmem_shared>>
      tpu.enqueue_dma source(%dma_start3A_47 : memref<624x128xf32, #tpu.memory_space<vmem_shared>>) target(%dma_start3A_45 : memref<624x128xf32, #tpu.memory_space<hbm>>) target_semaphore(%run_scoped3A : memref<!tpu.dma_semaphore, #tpu.memory_space<semaphore_mem>>)
      %dma_wait3A = arith.constant 0 : i32
      %dma_wait3A_48 = tpu.memref_slice %arg5[%arg0, %mul3A_37, %dma_wait3A] : memref<2x10000x128xf32, #tpu.memory_space<hbm>> -> memref<1x624x128xf32, #tpu.memory_space<hbm>>
      %dma_wait3A_49 = tpu.memref_squeeze %dma_wait3A_48 : memref<1x624x128xf32, #tpu.memory_space<hbm>> -> memref<624x128xf32, #tpu.memory_space<hbm>>
      %dma_wait3A_50 = arith.constant 0 : i32
      %dma_wait3A_51 = tpu.memref_slice %arg9[%mul3A_37, %dma_wait3A_50] : memref<10000x128xf32, #tpu.memory_space<vmem_shared>> -> memref<624x128xf32, #tpu.memory_space<vmem_shared>>
      tpu.wait_dma2 semaphore(%run_scoped3A : memref<!tpu.dma_semaphore, #tpu.memory_space<semaphore_mem>>) src(%dma_wait3A_51 : memref<624x128xf32, #tpu.memory_space<vmem_shared>>) dst(%dma_wait3A_49 : memref<624x128xf32, #tpu.memory_space<hbm>>)
      tpu.yield
    }) : () -> ()
    %eq3A_38 = arith.constant 15 : i32
    %eq3A_39 = arith.cmpi eq, %arg1, %eq3A_38 : i32
    %convert_element_type3A_40 = arith.extui %eq3A_39 : i1 to i32
    %cond3A_41 = arith.constant 0 : i32
    %cond3A_42 = arith.cmpi ne, %convert_element_type3A_40, %cond3A_41 : i32
    scf.if %cond3A_42 {
      "tpu.region"() ({
        %run_scoped3A = tpu.sem_alloc : memref<!tpu.dma_semaphore, #tpu.memory_space<semaphore_mem>>
        %dma_start3A_43 = arith.constant 9984 : i32
        %dma_start3A_44 = arith.constant 0 : i32
        %dma_start3A_45 = tpu.memref_slice %arg5[%arg0, %dma_start3A_43, %dma_start3A_44] : memref<2x10000x128xf32, #tpu.memory_space<hbm>> -> memref<1x16x128xf32, #tpu.memory_space<hbm>>
        %dma_start3A_46 = tpu.memref_squeeze %dma_start3A_45 : memref<1x16x128xf32, #tpu.memory_space<hbm>> -> memref<16x128xf32, #tpu.memory_space<hbm>>
        %dma_start3A_47 = arith.constant 9984 : i32
        %dma_start3A_48 = arith.constant 0 : i32
        %dma_start3A_49 = tpu.memref_slice %arg9[%dma_start3A_47, %dma_start3A_48] : memref<10000x128xf32, #tpu.memory_space<vmem_shared>> -> memref<16x128xf32, #tpu.memory_space<vmem_shared>>
        tpu.enqueue_dma source(%dma_start3A_49 : memref<16x128xf32, #tpu.memory_space<vmem_shared>>) target(%dma_start3A_46 : memref<16x128xf32, #tpu.memory_space<hbm>>) target_semaphore(%run_scoped3A : memref<!tpu.dma_semaphore, #tpu.memory_space<semaphore_mem>>)
        %dma_wait3A = arith.constant 9984 : i32
        %dma_wait3A_50 = arith.constant 0 : i32
        %dma_wait3A_51 = tpu.memref_slice %arg5[%arg0, %dma_wait3A, %dma_wait3A_50] : memref<2x10000x128xf32, #tpu.memory_space<hbm>> -> memref<1x16x128xf32, #tpu.memory_space<hbm>>
        %dma_wait3A_52 = tpu.memref_squeeze %dma_wait3A_51 : memref<1x16x128xf32, #tpu.memory_space<hbm>> -> memref<16x128xf32, #tpu.memory_space<hbm>>
        %dma_wait3A_53 = arith.constant 9984 : i32
        %dma_wait3A_54 = arith.constant 0 : i32
        %dma_wait3A_55 = tpu.memref_slice %arg9[%dma_wait3A_53, %dma_wait3A_54] : memref<10000x128xf32, #tpu.memory_space<vmem_shared>> -> memref<16x128xf32, #tpu.memory_space<vmem_shared>>
        tpu.wait_dma2 semaphore(%run_scoped3A : memref<!tpu.dma_semaphore, #tpu.memory_space<semaphore_mem>>) src(%dma_wait3A_55 : memref<16x128xf32, #tpu.memory_space<vmem_shared>>) dst(%dma_wait3A_52 : memref<16x128xf32, #tpu.memory_space<hbm>>)
        tpu.yield
      }) : () -> ()
    } else {
    }
    return
  }
}

module attributes {stable_mosaic.version = 14 : i64} {
  func.func @_scale1_body(%arg0: i32, %arg1: memref<2000x128xf32, #tpu.memory_space<vmem>>, %arg2: memref<128x64xf32, #tpu.memory_space<vmem>>, %arg3: memref<2x2000x128xf32, #tpu.memory_space<vmem>>, %arg4: memref<2000x128xf32, #tpu.memory_space<vmem>>, %arg5: memref<2000x1xf32, #tpu.memory_space<vmem>>) attributes {dimension_semantics = [#tpu.dimension_semantics<arbitrary>], iteration_bounds = array<i64: 5>, scalar_prefetch = 0 : i64, scratch_operands = 0 : i64, tpu.core_type = #tpu.core_type<tc>, window_params = [{transform_indices = @transform_0, window_bounds = array<i64: 2000, 128>}, {pipeline_mode = #tpu.pipeline_mode<synchronous>, transform_indices = @transform_1, window_bounds = array<i64: 128, 64>}, {transform_indices = @transform_2, window_bounds = array<i64: 2, 2000, 128>}, {transform_indices = @transform_3, window_bounds = array<i64: 2000, 128>}, {transform_indices = @transform_4, window_bounds = array<i64: 2000, 1>}]} {
    %get3A = arith.constant 0 : index
    %get3A_0 = arith.constant 0 : index
    %get3A_1 = arith.constant 0 : index
    %get3A_2 = vector.load %arg3[%get3A, %get3A_0, %get3A_1] : memref<2x2000x128xf32, #tpu.memory_space<vmem>>, vector<1x2000x1xf32>
    %get3A_3 = vector.shape_cast %get3A_2 : vector<1x2000x1xf32> to vector<2000x1xf32>
    %get3A_4 = arith.constant 1 : index
    %get3A_5 = arith.constant 0 : index
    %get3A_6 = arith.constant 0 : index
    %get3A_7 = vector.load %arg3[%get3A_4, %get3A_5, %get3A_6] : memref<2x2000x128xf32, #tpu.memory_space<vmem>>, vector<1x2000x1xf32>
    %get3A_8 = vector.shape_cast %get3A_7 : vector<1x2000x1xf32> to vector<2000x1xf32>
    %add3A = arith.addf %get3A_3, %get3A_8 : vector<2000x1xf32>
    %add3A_9 = arith.constant 1.000000e+00 : f32
    %add3A_10 = vector.broadcast %add3A_9 : f32 to vector<2000x1xf32>
    %add3A_11 = arith.addf %add3A, %add3A_10 : vector<2000x1xf32>
    %sqrt3A = math.sqrt %add3A_11 : vector<2000x1xf32>
    %div3A = arith.constant 1.000000e+00 : f32
    %div3A_12 = vector.broadcast %div3A : f32 to vector<2000x1xf32>
    %div3A_13 = arith.divf %div3A_12, %sqrt3A : vector<2000x1xf32>
    %get3A_14 = arith.constant 0 : index
    %get3A_15 = arith.constant 0 : index
    %get3A_16 = vector.load %arg1[%get3A_14, %get3A_15] : memref<2000x128xf32, #tpu.memory_space<vmem>>, vector<2000x128xf32>
    %get3A_17 = arith.constant 0 : index
    %get3A_18 = arith.constant 0 : index
    %get3A_19 = vector.load %arg2[%get3A_17, %get3A_18] : memref<128x64xf32, #tpu.memory_space<vmem>>, vector<128x64xf32>
    %dot_general3A = arith.constant dense<0.000000e+00> : vector<2000x64xf32>
    %dot_general3A_20 = tpu.matmul %get3A_16, %get3A_19, %dot_general3A {dimension_numbers = #tpu.dot_dimension_numbers<[1], [0], [0], [1], [0, 0, 1, 1], [], []>, transpose_lhs_hint = false} : vector<2000x128xf32>, vector<128x64xf32>, vector<2000x64xf32> -> vector<2000x64xf32>
    %mul3A = vector.broadcast %div3A_13 : vector<2000x1xf32> to vector<2000x64xf32>
    %mul3A_21 = arith.mulf %dot_general3A_20, %mul3A : vector<2000x64xf32>
    %swap3A = arith.constant 0 : index
    %swap3A_22 = arith.constant 0 : index
    %swap3A_23 = vector.load %arg4[%swap3A, %swap3A_22] : memref<2000x128xf32, #tpu.memory_space<vmem>>, vector<2000x64xf32>
    tpu.vector_store %arg4[%swap3A, %swap3A_22], %mul3A_21 {strides = array<i32>} : memref<2000x128xf32, #tpu.memory_space<vmem>>, vector<2000x64xf32>,
    %broadcast_in_dim3A = arith.constant 0.000000e+00 : f32
    %broadcast_in_dim3A_24 = vector.broadcast %broadcast_in_dim3A : f32 to vector<2000x64xf32>
    %swap3A_25 = arith.constant 0 : index
    %swap3A_26 = arith.constant 64 : index
    %swap3A_27 = vector.load %arg4[%swap3A_25, %swap3A_26] : memref<2000x128xf32, #tpu.memory_space<vmem>>, vector<2000x64xf32>
    tpu.vector_store %arg4[%swap3A_25, %swap3A_26], %broadcast_in_dim3A_24 {strides = array<i32>} : memref<2000x128xf32, #tpu.memory_space<vmem>>, vector<2000x64xf32>,
    %swap3A_28 = arith.constant 0 : index
    %swap3A_29 = arith.constant 0 : index
    %swap3A_30 = vector.load %arg5[%swap3A_28, %swap3A_29] : memref<2000x1xf32, #tpu.memory_space<vmem>>, vector<2000x1xf32>
    tpu.vector_store %arg5[%swap3A_28, %swap3A_29], %div3A_13 {strides = array<i32>} : memref<2000x1xf32, #tpu.memory_space<vmem>>, vector<2000x1xf32>,
    return
  }
  func.func @transform_0(%arg0: i32) -> (i32, i32) {
    %c0_i32 = arith.constant 0 : i32
    %c0_i32_0 = arith.constant 0 : i32
    return %arg0, %c0_i32 : i32, i32
  }
  func.func @transform_1(%arg0: i32) -> (i32, i32) {
    %c0_i32 = arith.constant 0 : i32
    %c0_i32_0 = arith.constant 0 : i32
    %c0_i32_1 = arith.constant 0 : i32
    return %c0_i32, %c0_i32_0 : i32, i32
  }
  func.func @transform_2(%arg0: i32) -> (i32, i32, i32) {
    %c0_i32 = arith.constant 0 : i32
    %c0_i32_0 = arith.constant 0 : i32
    %c0_i32_1 = arith.constant 0 : i32
    return %c0_i32, %arg0, %c0_i32_0 : i32, i32, i32
  }
  func.func @transform_3(%arg0: i32) -> (i32, i32) {
    %c0_i32 = arith.constant 0 : i32
    %c0_i32_0 = arith.constant 0 : i32
    return %arg0, %c0_i32 : i32, i32
  }
  func.func @transform_4(%arg0: i32) -> (i32, i32) {
    %c0_i32 = arith.constant 0 : i32
    %c0_i32_0 = arith.constant 0 : i32
    return %arg0, %c0_i32 : i32, i32
  }
}

module attributes {stable_mosaic.version = 14 : i64} {
  func.func @_layer2_body(%arg0: i32, %arg1: memref<2x2000x128xf32, #tpu.memory_space<vmem>>, %arg2: memref<2000x128xf32, #tpu.memory_space<vmem>>, %arg3: memref<2000x1xf32, #tpu.memory_space<vmem>>, %arg4: memref<64x128xf32, #tpu.memory_space<vmem>>, %arg5: memref<1x64xf32, #tpu.memory_space<vmem>>, %arg6: memref<2000x128xf32, #tpu.memory_space<vmem>>) attributes {dimension_semantics = [#tpu.dimension_semantics<arbitrary>], iteration_bounds = array<i64: 5>, scalar_prefetch = 0 : i64, scratch_operands = 0 : i64, tpu.core_type = #tpu.core_type<tc>, window_params = [{transform_indices = @transform_0, window_bounds = array<i64: 2, 2000, 128>}, {transform_indices = @transform_1, window_bounds = array<i64: 2000, 128>}, {transform_indices = @transform_2, window_bounds = array<i64: 2000, 1>}, {pipeline_mode = #tpu.pipeline_mode<synchronous>, transform_indices = @transform_3, window_bounds = array<i64: 64, 128>}, {pipeline_mode = #tpu.pipeline_mode<synchronous>, transform_indices = @transform_4, window_bounds = array<i64: 1, 64>}, {transform_indices = @transform_5, window_bounds = array<i64: 2000, 128>}]} {
    %get3A = arith.constant 0 : index
    %get3A_0 = arith.constant 0 : index
    %get3A_1 = vector.load %arg3[%get3A, %get3A_0] : memref<2000x1xf32, #tpu.memory_space<vmem>>, vector<2000x1xf32>
    %get3A_2 = arith.constant 0 : index
    %get3A_3 = arith.constant 0 : index
    %get3A_4 = arith.constant 0 : index
    %get3A_5 = vector.load %arg1[%get3A_2, %get3A_3, %get3A_4] : memref<2x2000x128xf32, #tpu.memory_space<vmem>>, vector<1x2000x64xf32>
    %get3A_6 = vector.shape_cast %get3A_5 : vector<1x2000x64xf32> to vector<2000x64xf32>
    %get3A_7 = arith.constant 1 : index
    %get3A_8 = arith.constant 0 : index
    %get3A_9 = arith.constant 0 : index
    %get3A_10 = vector.load %arg1[%get3A_7, %get3A_8, %get3A_9] : memref<2x2000x128xf32, #tpu.memory_space<vmem>>, vector<1x2000x64xf32>
    %get3A_11 = vector.shape_cast %get3A_10 : vector<1x2000x64xf32> to vector<2000x64xf32>
    %add3A = arith.addf %get3A_6, %get3A_11 : vector<2000x64xf32>
    %get3A_12 = arith.constant 0 : index
    %get3A_13 = arith.constant 0 : index
    %get3A_14 = vector.load %arg2[%get3A_12, %get3A_13] : memref<2000x128xf32, #tpu.memory_space<vmem>>, vector<2000x64xf32>
    %add3A_15 = arith.addf %add3A, %get3A_14 : vector<2000x64xf32>
    %mul3A = vector.broadcast %get3A_1 : vector<2000x1xf32> to vector<2000x64xf32>
    %mul3A_16 = arith.mulf %mul3A, %add3A_15 : vector<2000x64xf32>
    %get3A_17 = arith.constant 0 : index
    %get3A_18 = arith.constant 0 : index
    %get3A_19 = vector.load %arg5[%get3A_17, %get3A_18] : memref<1x64xf32, #tpu.memory_space<vmem>>, vector<1x64xf32>
    %add3A_20 = vector.broadcast %get3A_19 : vector<1x64xf32> to vector<2000x64xf32>
    %add3A_21 = arith.addf %mul3A_16, %add3A_20 : vector<2000x64xf32>
    %max3A = arith.constant 0.000000e+00 : f32
    %max3A_22 = vector.broadcast %max3A : f32 to vector<2000x64xf32>
    %max3A_23 = arith.maximumf %add3A_21, %max3A_22 : vector<2000x64xf32>
    %get3A_24 = arith.constant 0 : index
    %get3A_25 = arith.constant 0 : index
    %get3A_26 = vector.load %arg4[%get3A_24, %get3A_25] : memref<64x128xf32, #tpu.memory_space<vmem>>, vector<64x128xf32>
    %dot_general3A = arith.constant dense<0.000000e+00> : vector<2000x128xf32>
    %dot_general3A_27 = tpu.matmul %max3A_23, %get3A_26, %dot_general3A {dimension_numbers = #tpu.dot_dimension_numbers<[1], [0], [0], [1], [0, 0, 1, 1], [], []>, transpose_lhs_hint = false} : vector<2000x64xf32>, vector<64x128xf32>, vector<2000x128xf32> -> vector<2000x128xf32>
    %mul3A_28 = vector.broadcast %get3A_1 : vector<2000x1xf32> to vector<2000x128xf32>
    %mul3A_29 = arith.mulf %dot_general3A_27, %mul3A_28 : vector<2000x128xf32>
    %swap3A = arith.constant 0 : index
    %swap3A_30 = arith.constant 0 : index
    %swap3A_31 = vector.load %arg6[%swap3A, %swap3A_30] : memref<2000x128xf32, #tpu.memory_space<vmem>>, vector<2000x128xf32>
    tpu.vector_store %arg6[%swap3A, %swap3A_30], %mul3A_29 {strides = array<i32>} : memref<2000x128xf32, #tpu.memory_space<vmem>>, vector<2000x128xf32>,
    return
  }
  func.func @transform_0(%arg0: i32) -> (i32, i32, i32) {
    %c0_i32 = arith.constant 0 : i32
    %c0_i32_0 = arith.constant 0 : i32
    %c0_i32_1 = arith.constant 0 : i32
    return %c0_i32, %arg0, %c0_i32_0 : i32, i32, i32
  }
  func.func @transform_1(%arg0: i32) -> (i32, i32) {
    %c0_i32 = arith.constant 0 : i32
    %c0_i32_0 = arith.constant 0 : i32
    return %arg0, %c0_i32 : i32, i32
  }
  func.func @transform_2(%arg0: i32) -> (i32, i32) {
    %c0_i32 = arith.constant 0 : i32
    %c0_i32_0 = arith.constant 0 : i32
    return %arg0, %c0_i32 : i32, i32
  }
  func.func @transform_3(%arg0: i32) -> (i32, i32) {
    %c0_i32 = arith.constant 0 : i32
    %c0_i32_0 = arith.constant 0 : i32
    %c0_i32_1 = arith.constant 0 : i32
    return %c0_i32, %c0_i32_0 : i32, i32
  }
  func.func @transform_4(%arg0: i32) -> (i32, i32) {
    %c0_i32 = arith.constant 0 : i32
    %c0_i32_0 = arith.constant 0 : i32
    %c0_i32_1 = arith.constant 0 : i32
    return %c0_i32, %c0_i32_0 : i32, i32
  }
  func.func @transform_5(%arg0: i32) -> (i32, i32) {
    %c0_i32 = arith.constant 0 : i32
    %c0_i32_0 = arith.constant 0 : i32
    return %arg0, %c0_i32 : i32, i32
  }
}

module attributes {stable_mosaic.version = 14 : i64} {
  func.func @_h2_body(%arg0: i32, %arg1: memref<2x2000x128xf32, #tpu.memory_space<vmem>>, %arg2: memref<2000x128xf32, #tpu.memory_space<vmem>>, %arg3: memref<2000x1xf32, #tpu.memory_space<vmem>>, %arg4: memref<1x128xf32, #tpu.memory_space<vmem>>, %arg5: memref<2000x128xf32, #tpu.memory_space<vmem>>) attributes {dimension_semantics = [#tpu.dimension_semantics<arbitrary>], iteration_bounds = array<i64: 5>, scalar_prefetch = 0 : i64, scratch_operands = 0 : i64, tpu.core_type = #tpu.core_type<tc>, window_params = [{transform_indices = @transform_0, window_bounds = array<i64: 2, 2000, 128>}, {transform_indices = @transform_1, window_bounds = array<i64: 2000, 128>}, {transform_indices = @transform_2, window_bounds = array<i64: 2000, 1>}, {pipeline_mode = #tpu.pipeline_mode<synchronous>, transform_indices = @transform_3, window_bounds = array<i64: 1, 128>}, {transform_indices = @transform_4, window_bounds = array<i64: 2000, 128>}]} {
    %get3A = arith.constant 0 : index
    %get3A_0 = arith.constant 0 : index
    %get3A_1 = vector.load %arg3[%get3A, %get3A_0] : memref<2000x1xf32, #tpu.memory_space<vmem>>, vector<2000x1xf32>
    %get3A_2 = arith.constant 0 : index
    %get3A_3 = arith.constant 0 : index
    %get3A_4 = arith.constant 0 : index
    %get3A_5 = vector.load %arg1[%get3A_2, %get3A_3, %get3A_4] : memref<2x2000x128xf32, #tpu.memory_space<vmem>>, vector<1x2000x128xf32>
    %get3A_6 = vector.shape_cast %get3A_5 : vector<1x2000x128xf32> to vector<2000x128xf32>
    %get3A_7 = arith.constant 1 : index
    %get3A_8 = arith.constant 0 : index
    %get3A_9 = arith.constant 0 : index
    %get3A_10 = vector.load %arg1[%get3A_7, %get3A_8, %get3A_9] : memref<2x2000x128xf32, #tpu.memory_space<vmem>>, vector<1x2000x128xf32>
    %get3A_11 = vector.shape_cast %get3A_10 : vector<1x2000x128xf32> to vector<2000x128xf32>
    %add3A = arith.addf %get3A_6, %get3A_11 : vector<2000x128xf32>
    %get3A_12 = arith.constant 0 : index
    %get3A_13 = arith.constant 0 : index
    %get3A_14 = vector.load %arg2[%get3A_12, %get3A_13] : memref<2000x128xf32, #tpu.memory_space<vmem>>, vector<2000x128xf32>
    %add3A_15 = arith.addf %add3A, %get3A_14 : vector<2000x128xf32>
    %mul3A = vector.broadcast %get3A_1 : vector<2000x1xf32> to vector<2000x128xf32>
    %mul3A_16 = arith.mulf %mul3A, %add3A_15 : vector<2000x128xf32>
    %get3A_17 = arith.constant 0 : index
    %get3A_18 = arith.constant 0 : index
    %get3A_19 = vector.load %arg4[%get3A_17, %get3A_18] : memref<1x128xf32, #tpu.memory_space<vmem>>, vector<1x128xf32>
    %add3A_20 = vector.broadcast %get3A_19 : vector<1x128xf32> to vector<2000x128xf32>
    %add3A_21 = arith.addf %mul3A_16, %add3A_20 : vector<2000x128xf32>
    %max3A = arith.constant 0.000000e+00 : f32
    %max3A_22 = vector.broadcast %max3A : f32 to vector<2000x128xf32>
    %max3A_23 = arith.maximumf %add3A_21, %max3A_22 : vector<2000x128xf32>
    %swap3A = arith.constant 0 : index
    %swap3A_24 = arith.constant 0 : index
    %swap3A_25 = vector.load %arg5[%swap3A, %swap3A_24] : memref<2000x128xf32, #tpu.memory_space<vmem>>, vector<2000x128xf32>
    tpu.vector_store %arg5[%swap3A, %swap3A_24], %max3A_23 {strides = array<i32>} : memref<2000x128xf32, #tpu.memory_space<vmem>>, vector<2000x128xf32>,
    return
  }
  func.func @transform_0(%arg0: i32) -> (i32, i32, i32) {
    %c0_i32 = arith.constant 0 : i32
    %c0_i32_0 = arith.constant 0 : i32
    %c0_i32_1 = arith.constant 0 : i32
    return %c0_i32, %arg0, %c0_i32_0 : i32, i32, i32
  }
  func.func @transform_1(%arg0: i32) -> (i32, i32) {
    %c0_i32 = arith.constant 0 : i32
    %c0_i32_0 = arith.constant 0 : i32
    return %arg0, %c0_i32 : i32, i32
  }
  func.func @transform_2(%arg0: i32) -> (i32, i32) {
    %c0_i32 = arith.constant 0 : i32
    %c0_i32_0 = arith.constant 0 : i32
    return %arg0, %c0_i32 : i32, i32
  }
  func.func @transform_3(%arg0: i32) -> (i32, i32) {
    %c0_i32 = arith.constant 0 : i32
    %c0_i32_0 = arith.constant 0 : i32
    %c0_i32_1 = arith.constant 0 : i32
    return %c0_i32, %c0_i32_0 : i32, i32
  }
  func.func @transform_4(%arg0: i32) -> (i32, i32) {
    %c0_i32 = arith.constant 0 : i32
    %c0_i32_0 = arith.constant 0 : i32
    return %arg0, %c0_i32 : i32, i32
  }
}

module attributes {stable_mosaic.version = 14 : i64} {
  func.func @_conv_body(%arg0: i32, %arg1: memref<2000x128xf32, #tpu.memory_space<vmem>>, %arg2: memref<2000x128xf32, #tpu.memory_space<vmem>>, %arg3: memref<2000x128xf32, #tpu.memory_space<vmem>>, %arg4: memref<128x128xf32, #tpu.memory_space<vmem>>, %arg5: memref<128x128xf32, #tpu.memory_space<vmem>>, %arg6: memref<128x128xf32, #tpu.memory_space<vmem>>, %arg7: memref<1x128xf32, #tpu.memory_space<vmem>>, %arg8: memref<1x128x1x2000xf32, #tpu.memory_space<vmem>>, %arg9: memref<2x128xf32, #tpu.memory_space<vmem>>) attributes {dimension_semantics = [#tpu.dimension_semantics<arbitrary>], iteration_bounds = array<i64: 5>, scalar_prefetch = 0 : i64, scratch_operands = 0 : i64, tpu.core_type = #tpu.core_type<tc>, window_params = [{transform_indices = @transform_0, window_bounds = array<i64: 2000, 128>}, {transform_indices = @transform_1, window_bounds = array<i64: 2000, 128>}, {transform_indices = @transform_2, window_bounds = array<i64: 2000, 128>}, {pipeline_mode = #tpu.pipeline_mode<synchronous>, transform_indices = @transform_3, window_bounds = array<i64: 128, 128>}, {pipeline_mode = #tpu.pipeline_mode<synchronous>, transform_indices = @transform_4, window_bounds = array<i64: 128, 128>}, {pipeline_mode = #tpu.pipeline_mode<synchronous>, transform_indices = @transform_5, window_bounds = array<i64: 128, 128>}, {pipeline_mode = #tpu.pipeline_mode<synchronous>, transform_indices = @transform_6, window_bounds = array<i64: 1, 128>}, {transform_indices = @transform_7, window_bounds = array<i64: 1, 128, 1, 2000>}, {pipeline_mode = #tpu.pipeline_mode<synchronous>, transform_indices = @transform_8, window_bounds = array<i64: 2, 128>}]} {
    %get3A = arith.constant 0 : index
    %get3A_0 = arith.constant 0 : index
    %get3A_1 = vector.load %arg2[%get3A, %get3A_0] : memref<2000x128xf32, #tpu.memory_space<vmem>>, vector<2000x128xf32>
    %get3A_2 = arith.constant 1999 : index
    %get3A_3 = arith.constant 0 : index
    %get3A_4 = vector.load %arg1[%get3A_2, %get3A_3] : memref<2000x128xf32, #tpu.memory_space<vmem>>, vector<1x128xf32>
    %slice3A = vector.extract_strided_slice %get3A_1 {offsets = [0, 0], sizes = [1999, 128], strides = [1, 1]} : vector<2000x128xf32> to vector<1999x128xf32>
    %concatenate3A = tpu.concatenate %get3A_4, %slice3A in 0 : vector<1x128xf32>, vector<1999x128xf32> -> vector<2000x128xf32>
    %slice3A_5 = vector.extract_strided_slice %get3A_1 {offsets = [1, 0], sizes = [1999, 128], strides = [1, 1]} : vector<2000x128xf32> to vector<1999x128xf32>
    %get3A_6 = arith.constant 0 : index
    %get3A_7 = arith.constant 0 : index
    %get3A_8 = vector.load %arg3[%get3A_6, %get3A_7] : memref<2000x128xf32, #tpu.memory_space<vmem>>, vector<1x128xf32>
    %concatenate3A_9 = tpu.concatenate %slice3A_5, %get3A_8 in 0 : vector<1999x128xf32>, vector<1x128xf32> -> vector<2000x128xf32>
    %get3A_10 = arith.constant 0 : index
    %get3A_11 = arith.constant 0 : index
    %get3A_12 = vector.load %arg4[%get3A_10, %get3A_11] : memref<128x128xf32, #tpu.memory_space<vmem>>, vector<128x128xf32>
    %dot_general3A = arith.constant dense<0.000000e+00> : vector<2000x128xf32>
    %dot_general3A_13 = tpu.matmul %concatenate3A, %get3A_12, %dot_general3A {dimension_numbers = #tpu.dot_dimension_numbers<[1], [0], [0], [1], [0, 0, 1, 1], [], []>, transpose_lhs_hint = false} : vector<2000x128xf32>, vector<128x128xf32>, vector<2000x128xf32> -> vector<2000x128xf32>
    %get3A_14 = arith.constant 0 : index
    %get3A_15 = arith.constant 0 : index
    %get3A_16 = vector.load %arg5[%get3A_14, %get3A_15] : memref<128x128xf32, #tpu.memory_space<vmem>>, vector<128x128xf32>
    %dot_general3A_17 = arith.constant dense<0.000000e+00> : vector<2000x128xf32>
    %dot_general3A_18 = tpu.matmul %get3A_1, %get3A_16, %dot_general3A_17 {dimension_numbers = #tpu.dot_dimension_numbers<[1], [0], [0], [1], [0, 0, 1, 1], [], []>, transpose_lhs_hint = false} : vector<2000x128xf32>, vector<128x128xf32>, vector<2000x128xf32> -> vector<2000x128xf32>
    %add3A = arith.addf %dot_general3A_13, %dot_general3A_18 : vector<2000x128xf32>
    %get3A_19 = arith.constant 0 : index
    %get3A_20 = arith.constant 0 : index
    %get3A_21 = vector.load %arg6[%get3A_19, %get3A_20] : memref<128x128xf32, #tpu.memory_space<vmem>>, vector<128x128xf32>
    %dot_general3A_22 = arith.constant dense<0.000000e+00> : vector<2000x128xf32>
    %dot_general3A_23 = tpu.matmul %concatenate3A_9, %get3A_21, %dot_general3A_22 {dimension_numbers = #tpu.dot_dimension_numbers<[1], [0], [0], [1], [0, 0, 1, 1], [], []>, transpose_lhs_hint = false} : vector<2000x128xf32>, vector<128x128xf32>, vector<2000x128xf32> -> vector<2000x128xf32>
    %add3A_24 = arith.addf %add3A, %dot_general3A_23 : vector<2000x128xf32>
    %get3A_25 = arith.constant 0 : index
    %get3A_26 = arith.constant 0 : index
    %get3A_27 = vector.load %arg7[%get3A_25, %get3A_26] : memref<1x128xf32, #tpu.memory_space<vmem>>, vector<1x128xf32>
    %add3A_28 = vector.broadcast %get3A_27 : vector<1x128xf32> to vector<2000x128xf32>
    %add3A_29 = arith.addf %add3A_24, %add3A_28 : vector<2000x128xf32>
    %max3A = arith.constant 0.000000e+00 : f32
    %max3A_30 = vector.broadcast %max3A : f32 to vector<2000x128xf32>
    %max3A_31 = arith.maximumf %add3A_29, %max3A_30 : vector<2000x128xf32>
    %transpose3A = tpu.transpose %max3A_31, [1, 0] : vector<2000x128xf32> -> vector<128x2000xf32>
    %swap3A = arith.constant 0 : index
    %swap3A_32 = arith.constant 0 : index
    %swap3A_33 = arith.constant 0 : index
    %swap3A_34 = arith.constant 0 : index
    %swap3A_35 = vector.load %arg8[%swap3A, %swap3A_32, %swap3A_33, %swap3A_34] : memref<1x128x1x2000xf32, #tpu.memory_space<vmem>>, vector<1x128x1x2000xf32>
    %swap3A_36 = vector.shape_cast %swap3A_35 : vector<1x128x1x2000xf32> to vector<128x2000xf32>
    %swap3A_37 = vector.shape_cast %transpose3A : vector<128x2000xf32> to vector<1x128x1x2000xf32>
    tpu.vector_store %arg8[%swap3A, %swap3A_32, %swap3A_33, %swap3A_34], %swap3A_37 {strides = array<i32>} : memref<1x128x1x2000xf32, #tpu.memory_space<vmem>>, vector<1x128x1x2000xf32>,
    %eq3A = arith.constant 0 : i32
    %eq3A_38 = arith.cmpi eq, %arg0, %eq3A : i32
    %convert_element_type3A = arith.extui %eq3A_38 : i1 to i32
    %cond3A = arith.constant 0 : i32
    %cond3A_39 = arith.cmpi ne, %convert_element_type3A, %cond3A : i32
    scf.if %cond3A_39 {
      %get3A_45 = arith.constant 1999 : index
      %get3A_46 = arith.constant 0 : index
      %get3A_47 = vector.load %arg1[%get3A_45, %get3A_46] : memref<2000x128xf32, #tpu.memory_space<vmem>>, vector<1x128xf32>
      %get3A_48 = arith.constant 0 : index
      %get3A_49 = arith.constant 0 : index
      %get3A_50 = vector.load %arg4[%get3A_48, %get3A_49] : memref<128x128xf32, #tpu.memory_space<vmem>>, vector<128x128xf32>
      %dot_general3A_51 = arith.constant dense<0.000000e+00> : vector<1x128xf32>
      %dot_general3A_52 = tpu.matmul %get3A_47, %get3A_50, %dot_general3A_51 {dimension_numbers = #tpu.dot_dimension_numbers<[1], [0], [0], [1], [0, 0, 1, 1], [], []>, transpose_lhs_hint = false} : vector<1x128xf32>, vector<128x128xf32>, vector<1x128xf32> -> vector<1x128xf32>
      %slice3A_53 = vector.extract_strided_slice %add3A_24 {offsets = [0, 0], sizes = [1, 128], strides = [1, 1]} : vector<2000x128xf32> to vector<1x128xf32>
      %get3A_54 = arith.constant 0 : index
      %get3A_55 = arith.constant 0 : index
      %get3A_56 = vector.load %arg7[%get3A_54, %get3A_55] : memref<1x128xf32, #tpu.memory_space<vmem>>, vector<1x128xf32>
      %add3A_57 = arith.addf %slice3A_53, %get3A_56 : vector<1x128xf32>
      %sub3A = arith.subf %add3A_57, %dot_general3A_52 : vector<1x128xf32>
      %max3A_58 = arith.constant 0.000000e+00 : f32
      %max3A_59 = vector.broadcast %max3A_58 : f32 to vector<1x128xf32>
      %max3A_60 = arith.maximumf %sub3A, %max3A_59 : vector<1x128xf32>
      %slice3A_61 = vector.extract_strided_slice %max3A_31 {offsets = [0, 0], sizes = [1, 128], strides = [1, 1]} : vector<2000x128xf32> to vector<1x128xf32>
      %sub3A_62 = arith.subf %max3A_60, %slice3A_61 : vector<1x128xf32>
      %swap3A_63 = arith.constant 0 : index
      %swap3A_64 = arith.constant 0 : index
      %swap3A_65 = vector.load %arg9[%swap3A_63, %swap3A_64] : memref<2x128xf32, #tpu.memory_space<vmem>>, vector<1x128xf32>
      tpu.vector_store %arg9[%swap3A_63, %swap3A_64], %sub3A_62 {strides = array<i32>} : memref<2x128xf32, #tpu.memory_space<vmem>>, vector<1x128xf32>,
    } else {
    }
    %eq3A_40 = arith.constant 4 : i32
    %eq3A_41 = arith.cmpi eq, %arg0, %eq3A_40 : i32
    %convert_element_type3A_42 = arith.extui %eq3A_41 : i1 to i32
    %cond3A_43 = arith.constant 0 : i32
    %cond3A_44 = arith.cmpi ne, %convert_element_type3A_42, %cond3A_43 : i32
    scf.if %cond3A_44 {
      %get3A_45 = arith.constant 0 : index
      %get3A_46 = arith.constant 0 : index
      %get3A_47 = vector.load %arg3[%get3A_45, %get3A_46] : memref<2000x128xf32, #tpu.memory_space<vmem>>, vector<1x128xf32>
      %get3A_48 = arith.constant 0 : index
      %get3A_49 = arith.constant 0 : index
      %get3A_50 = vector.load %arg6[%get3A_48, %get3A_49] : memref<128x128xf32, #tpu.memory_space<vmem>>, vector<128x128xf32>
      %dot_general3A_51 = arith.constant dense<0.000000e+00> : vector<1x128xf32>
      %dot_general3A_52 = tpu.matmul %get3A_47, %get3A_50, %dot_general3A_51 {dimension_numbers = #tpu.dot_dimension_numbers<[1], [0], [0], [1], [0, 0, 1, 1], [], []>, transpose_lhs_hint = false} : vector<1x128xf32>, vector<128x128xf32>, vector<1x128xf32> -> vector<1x128xf32>
      %slice3A_53 = vector.extract_strided_slice %add3A_24 {offsets = [1999, 0], sizes = [1, 128], strides = [1, 1]} : vector<2000x128xf32> to vector<1x128xf32>
      %get3A_54 = arith.constant 0 : index
      %get3A_55 = arith.constant 0 : index
      %get3A_56 = vector.load %arg7[%get3A_54, %get3A_55] : memref<1x128xf32, #tpu.memory_space<vmem>>, vector<1x128xf32>
      %add3A_57 = arith.addf %slice3A_53, %get3A_56 : vector<1x128xf32>
      %sub3A = arith.subf %add3A_57, %dot_general3A_52 : vector<1x128xf32>
      %max3A_58 = arith.constant 0.000000e+00 : f32
      %max3A_59 = vector.broadcast %max3A_58 : f32 to vector<1x128xf32>
      %max3A_60 = arith.maximumf %sub3A, %max3A_59 : vector<1x128xf32>
      %slice3A_61 = vector.extract_strided_slice %max3A_31 {offsets = [1999, 0], sizes = [1, 128], strides = [1, 1]} : vector<2000x128xf32> to vector<1x128xf32>
      %sub3A_62 = arith.subf %max3A_60, %slice3A_61 : vector<1x128xf32>
      %swap3A_63 = arith.constant 1 : index
      %swap3A_64 = arith.constant 0 : index
      %swap3A_65 = vector.load %arg9[%swap3A_63, %swap3A_64] : memref<2x128xf32, #tpu.memory_space<vmem>>, vector<1x128xf32>
      tpu.vector_store %arg9[%swap3A_63, %swap3A_64], %sub3A_62 {strides = array<i32>} : memref<2x128xf32, #tpu.memory_space<vmem>>, vector<1x128xf32>,
    } else {
    }
    return
  }
  func.func @transform_0(%arg0: i32) -> (i32, i32) {
    %add3A = arith.constant 5 : i32
    %add3A_0 = arith.addi %arg0, %add3A : i32
    %sub3A = arith.constant 1 : i32
    %sub3A_1 = arith.subi %add3A_0, %sub3A : i32
    %jit3A = arith.constant 5 : i32
    %eq3A = arith.constant 0 : i32
    %eq3A_2 = arith.cmpi eq, %jit3A, %eq3A : i32
    %jit3A_3 = arith.constant 1 : i32
    %select_n3A = arith.select %eq3A_2, %jit3A_3, %jit3A : i32
    %rem3A = arith.remsi %sub3A_1, %select_n3A : i32
    %ne3A = arith.constant 0 : i32
    %ne3A_4 = arith.cmpi ne, %rem3A, %ne3A : i32
    %lt3A = arith.constant 0 : i32
    %lt3A_5 = arith.cmpi slt, %rem3A, %lt3A : i32
    %lt3A_6 = arith.constant 0 : i32
    %lt3A_7 = arith.cmpi slt, %select_n3A, %lt3A_6 : i32
    %ne3A_8 = arith.xori %lt3A_5, %lt3A_7 : i1
    %and3A = arith.andi %ne3A_8, %ne3A_4 : i1
    %add3A_9 = arith.addi %rem3A, %select_n3A : i32
    %select_n3A_10 = arith.select %and3A, %add3A_9, %rem3A : i32
    %c0_i32 = arith.constant 0 : i32
    %c0_i32_11 = arith.constant 0 : i32
    return %select_n3A_10, %c0_i32 : i32, i32
  }
  func.func @transform_1(%arg0: i32) -> (i32, i32) {
    %c0_i32 = arith.constant 0 : i32
    %c0_i32_0 = arith.constant 0 : i32
    return %arg0, %c0_i32 : i32, i32
  }
  func.func @transform_2(%arg0: i32) -> (i32, i32) {
    %add3A = arith.constant 1 : i32
    %add3A_0 = arith.addi %arg0, %add3A : i32
    %jit3A = arith.constant 5 : i32
    %eq3A = arith.constant 0 : i32
    %eq3A_1 = arith.cmpi eq, %jit3A, %eq3A : i32
    %jit3A_2 = arith.constant 1 : i32
    %select_n3A = arith.select %eq3A_1, %jit3A_2, %jit3A : i32
    %rem3A = arith.remsi %add3A_0, %select_n3A : i32
    %ne3A = arith.constant 0 : i32
    %ne3A_3 = arith.cmpi ne, %rem3A, %ne3A : i32
    %lt3A = arith.constant 0 : i32
    %lt3A_4 = arith.cmpi slt, %rem3A, %lt3A : i32
    %lt3A_5 = arith.constant 0 : i32
    %lt3A_6 = arith.cmpi slt, %select_n3A, %lt3A_5 : i32
    %ne3A_7 = arith.xori %lt3A_4, %lt3A_6 : i1
    %and3A = arith.andi %ne3A_7, %ne3A_3 : i1
    %add3A_8 = arith.addi %rem3A, %select_n3A : i32
    %select_n3A_9 = arith.select %and3A, %add3A_8, %rem3A : i32
    %c0_i32 = arith.constant 0 : i32
    %c0_i32_10 = arith.constant 0 : i32
    return %select_n3A_9, %c0_i32 : i32, i32
  }
  func.func @transform_3(%arg0: i32) -> (i32, i32) {
    %c0_i32 = arith.constant 0 : i32
    %c0_i32_0 = arith.constant 0 : i32
    %c0_i32_1 = arith.constant 0 : i32
    return %c0_i32, %c0_i32_0 : i32, i32
  }
  func.func @transform_4(%arg0: i32) -> (i32, i32) {
    %c0_i32 = arith.constant 0 : i32
    %c0_i32_0 = arith.constant 0 : i32
    %c0_i32_1 = arith.constant 0 : i32
    return %c0_i32, %c0_i32_0 : i32, i32
  }
  func.func @transform_5(%arg0: i32) -> (i32, i32) {
    %c0_i32 = arith.constant 0 : i32
    %c0_i32_0 = arith.constant 0 : i32
    %c0_i32_1 = arith.constant 0 : i32
    return %c0_i32, %c0_i32_0 : i32, i32
  }
  func.func @transform_6(%arg0: i32) -> (i32, i32) {
    %c0_i32 = arith.constant 0 : i32
    %c0_i32_0 = arith.constant 0 : i32
    %c0_i32_1 = arith.constant 0 : i32
    return %c0_i32, %c0_i32_0 : i32, i32
  }
  func.func @transform_7(%arg0: i32) -> (i32, i32, i32, i32) {
    %c0_i32 = arith.constant 0 : i32
    %c0_i32_0 = arith.constant 0 : i32
    %c0_i32_1 = arith.constant 0 : i32
    %c0_i32_2 = arith.constant 0 : i32
    return %arg0, %c0_i32, %c0_i32_0, %c0_i32_1 : i32, i32, i32, i32
  }
  func.func @transform_8(%arg0: i32) -> (i32, i32) {
    %c0_i32 = arith.constant 0 : i32
    %c0_i32_0 = arith.constant 0 : i32
    %c0_i32_1 = arith.constant 0 : i32
    return %c0_i32, %c0_i32_0 : i32, i32
  }
}

module attributes {stable_mosaic.version = 14 : i64} {
  func.func @_fc_body(%arg0: i32, %arg1: i32, %arg2: memref<1x1x1x2000xf32, #tpu.memory_space<vmem>>, %arg3: memref<1x2x2000x16xf32, #tpu.memory_space<vmem>>, %arg4: memref<2x128xf32, #tpu.memory_space<smem>>, %arg5: memref<1x16xf32, #tpu.memory_space<vmem>>, %arg6: memref<1x16xf32, #tpu.memory_space<vmem>>) attributes {dimension_semantics = [#tpu.dimension_semantics<arbitrary>, #tpu.dimension_semantics<arbitrary>], iteration_bounds = array<i64: 128, 5>, scalar_prefetch = 0 : i64, scratch_operands = 0 : i64, tpu.core_type = #tpu.core_type<tc>, window_params = [{transform_indices = @transform_0, window_bounds = array<i64: 1, 1, 1, 2000>}, {transform_indices = @transform_1, window_bounds = array<i64: 1, 2, 2000, 16>}, {transform_indices = @transform_2, window_bounds = array<i64: 2, 128>}, {pipeline_mode = #tpu.pipeline_mode<synchronous>, transform_indices = @transform_3, window_bounds = array<i64: 1, 16>}, {pipeline_mode = #tpu.pipeline_mode<synchronous>, transform_indices = @transform_4, window_bounds = array<i64: 1, 16>}]} {
    %get3A = arith.constant 0 : index
    %get3A_0 = arith.constant 0 : index
    %get3A_1 = arith.constant 0 : index
    %get3A_2 = arith.constant 0 : index
    %get3A_3 = vector.load %arg2[%get3A, %get3A_0, %get3A_1, %get3A_2] : memref<1x1x1x2000xf32, #tpu.memory_space<vmem>>, vector<1x1x1x2000xf32>
    %get3A_4 = vector.shape_cast %get3A_3 : vector<1x1x1x2000xf32> to vector<1x2000xf32>
    %get3A_5 = arith.constant 0 : index
    %get3A_6 = arith.constant 0 : index
    %get3A_7 = arith.constant 0 : index
    %get3A_8 = arith.constant 0 : index
    %get3A_9 = vector.load %arg3[%get3A_5, %get3A_6, %get3A_7, %get3A_8] : memref<1x2x2000x16xf32, #tpu.memory_space<vmem>>, vector<1x1x2000x16xf32>
    %get3A_10 = vector.shape_cast %get3A_9 : vector<1x1x2000x16xf32> to vector<2000x16xf32>
    %get3A_11 = arith.constant 0 : index
    %get3A_12 = arith.constant 1 : index
    %get3A_13 = arith.constant 0 : index
    %get3A_14 = arith.constant 0 : index
    %get3A_15 = vector.load %arg3[%get3A_11, %get3A_12, %get3A_13, %get3A_14] : memref<1x2x2000x16xf32, #tpu.memory_space<vmem>>, vector<1x1x2000x16xf32>
    %get3A_16 = vector.shape_cast %get3A_15 : vector<1x1x2000x16xf32> to vector<2000x16xf32>
    %add3A = arith.addf %get3A_10, %get3A_16 : vector<2000x16xf32>
    %dot_general3A = arith.constant dense<0.000000e+00> : vector<1x16xf32>
    %dot_general3A_17 = tpu.matmul %get3A_4, %add3A, %dot_general3A {dimension_numbers = #tpu.dot_dimension_numbers<[1], [0], [0], [1], [0, 0, 1, 1], [], []>, transpose_lhs_hint = false} : vector<1x2000xf32>, vector<2000x16xf32>, vector<1x16xf32> -> vector<1x16xf32>
    %eq3A = arith.constant 0 : i32
    %eq3A_18 = arith.cmpi eq, %arg1, %eq3A : i32
    %get3A_19 = arith.constant 0 : index
    %get3A_20 = arith.index_cast %arg0 : i32 to index
    %get3A_21 = memref.load %arg4[%get3A_19, %get3A_20] : memref<2x128xf32, #tpu.memory_space<smem>>
    %jit3A = arith.constant 0.000000e+00 : f32
    %select_n3A = arith.select %eq3A_18, %get3A_21, %jit3A : f32
    %eq3A_22 = arith.constant 4 : i32
    %eq3A_23 = arith.cmpi eq, %arg1, %eq3A_22 : i32
    %get3A_24 = arith.constant 1 : index
    %get3A_25 = arith.index_cast %arg0 : i32 to index
    %get3A_26 = memref.load %arg4[%get3A_24, %get3A_25] : memref<2x128xf32, #tpu.memory_space<smem>>
    %jit3A_27 = arith.constant 0.000000e+00 : f32
    %select_n3A_28 = arith.select %eq3A_23, %get3A_26, %jit3A_27 : f32
    %get3A_29 = arith.constant 0 : index
    %get3A_30 = arith.constant 0 : index
    %get3A_31 = arith.constant 0 : index
    %get3A_32 = arith.constant 0 : index
    %get3A_33 = vector.load %arg3[%get3A_29, %get3A_30, %get3A_31, %get3A_32] : memref<1x2x2000x16xf32, #tpu.memory_space<vmem>>, vector<1x1x1x16xf32>
    %get3A_34 = vector.shape_cast %get3A_33 : vector<1x1x1x16xf32> to vector<1x16xf32>
    %mul3A = vector.broadcast %select_n3A : f32 to vector<1x16xf32>
    %mul3A_35 = arith.mulf %mul3A, %get3A_34 : vector<1x16xf32>
    %get3A_36 = arith.constant 0 : index
    %get3A_37 = arith.constant 1 : index
    %get3A_38 = arith.constant 1999 : index
    %get3A_39 = arith.constant 0 : index
    %get3A_40 = vector.load %arg3[%get3A_36, %get3A_37, %get3A_38, %get3A_39] : memref<1x2x2000x16xf32, #tpu.memory_space<vmem>>, vector<1x1x1x16xf32>
    %get3A_41 = vector.shape_cast %get3A_40 : vector<1x1x1x16xf32> to vector<1x16xf32>
    %mul3A_42 = vector.broadcast %select_n3A_28 : f32 to vector<1x16xf32>
    %mul3A_43 = arith.mulf %mul3A_42, %get3A_41 : vector<1x16xf32>
    %add3A_44 = arith.addf %mul3A_35, %mul3A_43 : vector<1x16xf32>
    %add3A_45 = arith.addf %dot_general3A_17, %add3A_44 : vector<1x16xf32>
    %eq3A_46 = arith.constant 0 : i32
    %eq3A_47 = arith.cmpi eq, %arg0, %eq3A_46 : i32
    %eq3A_48 = arith.constant 0 : i32
    %eq3A_49 = arith.cmpi eq, %arg1, %eq3A_48 : i32
    %and3A = arith.andi %eq3A_47, %eq3A_49 : i1
    %convert_element_type3A = arith.extui %and3A : i1 to i32
    %cond3A = arith.constant 0 : i32
    %cond3A_50 = arith.cmpi ne, %convert_element_type3A, %cond3A : i32
    scf.if %cond3A_50 {
      %get3A_55 = arith.constant 0 : index
      %get3A_56 = arith.constant 0 : index
      %get3A_57 = vector.load %arg5[%get3A_55, %get3A_56] : memref<1x16xf32, #tpu.memory_space<vmem>>, vector<1x16xf32>
      %add3A_58 = arith.addf %get3A_57, %add3A_45 : vector<1x16xf32>
      %swap3A = arith.constant 0 : index
      %swap3A_59 = arith.constant 0 : index
      %swap3A_60 = vector.load %arg6[%swap3A, %swap3A_59] : memref<1x16xf32, #tpu.memory_space<vmem>>, vector<1x16xf32>
      tpu.vector_store %arg6[%swap3A, %swap3A_59], %add3A_58 {strides = array<i32>} : memref<1x16xf32, #tpu.memory_space<vmem>>, vector<1x16xf32>,
    } else {
    }
    %not3A = arith.constant true
    %not3A_51 = arith.xori %and3A, %not3A : i1
    %convert_element_type3A_52 = arith.extui %not3A_51 : i1 to i32
    %cond3A_53 = arith.constant 0 : i32
    %cond3A_54 = arith.cmpi ne, %convert_element_type3A_52, %cond3A_53 : i32
    scf.if %cond3A_54 {
      %get3A_55 = arith.constant 0 : index
      %get3A_56 = arith.constant 0 : index
      %get3A_57 = vector.load %arg6[%get3A_55, %get3A_56] : memref<1x16xf32, #tpu.memory_space<vmem>>, vector<1x16xf32>
      %add3A_58 = arith.addf %get3A_57, %add3A_45 : vector<1x16xf32>
      %swap3A = arith.constant 0 : index
      %swap3A_59 = arith.constant 0 : index
      %swap3A_60 = vector.load %arg6[%swap3A, %swap3A_59] : memref<1x16xf32, #tpu.memory_space<vmem>>, vector<1x16xf32>
      tpu.vector_store %arg6[%swap3A, %swap3A_59], %add3A_58 {strides = array<i32>} : memref<1x16xf32, #tpu.memory_space<vmem>>, vector<1x16xf32>,
    } else {
    }
    return
  }
  func.func @transform_0(%arg0: i32, %arg1: i32) -> (i32, i32, i32, i32) {
    %c0_i32 = arith.constant 0 : i32
    %c0_i32_0 = arith.constant 0 : i32
    %c0_i32_1 = arith.constant 0 : i32
    return %arg1, %arg0, %c0_i32, %c0_i32_0 : i32, i32, i32, i32
  }
  func.func @transform_1(%arg0: i32, %arg1: i32) -> (i32, i32, i32, i32) {
    %c0_i32 = arith.constant 0 : i32
    %c0_i32_0 = arith.constant 0 : i32
    %c0_i32_1 = arith.constant 0 : i32
    return %arg0, %c0_i32, %arg1, %c0_i32_0 : i32, i32, i32, i32
  }
  func.func @transform_2(%arg0: i32, %arg1: i32) -> (i32, i32) {
    %c0_i32 = arith.constant 0 : i32
    %c0_i32_0 = arith.constant 0 : i32
    %c0_i32_1 = arith.constant 0 : i32
    return %c0_i32, %c0_i32_0 : i32, i32
  }
  func.func @transform_3(%arg0: i32, %arg1: i32) -> (i32, i32) {
    %c0_i32 = arith.constant 0 : i32
    %c0_i32_0 = arith.constant 0 : i32
    %c0_i32_1 = arith.constant 0 : i32
    return %c0_i32, %c0_i32_0 : i32, i32
  }
  func.func @transform_4(%arg0: i32, %arg1: i32) -> (i32, i32) {
    %c0_i32 = arith.constant 0 : i32
    %c0_i32_0 = arith.constant 0 : i32
    %c0_i32_1 = arith.constant 0 : i32
    return %c0_i32, %c0_i32_0 : i32, i32
  }
}

</mosaic_0001>

<sc_bundles>
// kernel: kernel.10.cloned.1.call-start
scs
__scs_entry_jumppad:
0x0: {  	(pc) =	sbr.rel $0x88, $3  }
0x1: {  	(tag) =	ssettag $0x0;
	lr =	simm.s32 $0x1  }
0x2: {  	[smem:$0x3F97] =	sst lr;
	_ =	strace $0xD0000000  }
0x3: {  	_ = 	snop  }
0x4: {  	_ = 	snop  }
0x5: {  	_ = 	snop  }
0x6: {  	_ = 	snop  }
0x7: {  	_ = 	snop  }
__scs_overlays_trampoline_lowered:
0x8: {  	[smem:$0x3FA6] =	sst s0  }
0x9: {  	[smem:$0x3FA7] =	sst s1  }
0xa: {  	[smem:$0x3FA8] =	sst s2  }
0xb: {  	[smem:$0x3FA9] =	sst s3  }
0xc: {  	[smem:$0x3FAA] =	sst s4  }
0xd: {  	[smem:$0x3FAB] =	sst s5  }
0xe: {  	[smem:$0x3FAC] =	sst s6  }
0xf: {  	[smem:$0x3FAD] =	sst s7  }
0x10: {  	[smem:$0x3FAE] =	sst s8  }
0x11: {  	[smem:$0x3FAF] =	sst s9;
	s0 =	simm.s32 @!p0 $0x0  }
0x12: {  	s1 =	sld [smem:$0x3F95];
	s0 =	simm.s32 @p0 $0x1  }
0x13: {  	[smem:$0x3FB0] =	sst s0;
	s0 =	simm.s32 @!p1 $0x0  }
0x14: {  	s2 =	sld [smem:$0x3F94];
	s0 =	simm.s32 @p1 $0x1  }
0x15: {  	[smem:$0x3FB1] =	sst s0;
	s0 =	simm.s32 @!p2 $0x0  }
0x16: {  	s3 =	sld [smem:$0x3FDB];
	s0 =	simm.s32 @p2 $0x1  }
0x17: {  	s4 =	simm.s32 $0x1BF5;
	[smem:$0x3FB3] =	sst s0  }
0x18: {  	s0 =	sld [smem:$0x3F96];
	_ =	swait.ge [sflag:s4], $0x0  }
0x19: {  	s7 =	sld [smem:$0x3F97]  }
0x1a: {  	s8 =	sadd.s32 $0xFFFFE003, lr  }
0x1b: {  	s9 =	sadd.s32 $0xFFFFFEF7, lr;
	s5 =	simm.s32 $0xFFFFFFFF;
	p2 =	slt.u32 s8, $0xFFFFF086  }
0x1c: {  	p1 =	slt.u32 s9, $0xF7A;
	s5 =	simm.s32 @!p2 $0x0  }
0x1d: {  	s5 =	simm.s32 @p1 $0x1;
	p0 =	seq.s32 s7, s2  }
0x1e: {  	s7 =	smul.u32 @!p0 $0xF7A, s2;
	p2 =	seq.s32 @!p0 s5, $0x0  }
0x1f: {  	s9 =	smul.u32 $0xF7A, s1;
	s8 =	simm.s32 @!p0 $0x1BF5;
	p2 =	por !p2, p0  }
0x20: {  	[sflag:s8] =	ssyncset.s32 @!p0 $0xFFFFF086;
	s6 =	sadd.s32 @!p0 s3, s7;
	s7 =	simm.s32 @!p0 $0x108  }
0x21: {  	s3 =	sadd.s32 s3, s9;
	s6 =	sadd.s32 @!p0 $0x88, s6;
	s7 =	simm.s32 @p2 $0x1082  }
0x22: {  	[simem:s7], [sflag:s8] =	dma.local @!p0 [hbm:s6], $0xF7A  }
0x23: {  	s9 =	sor.u32 $0xD0000000, s2;
	s6 =	simm.s32 $0x108;
	_ =	swait.ge @!p0 [sflag:s8], $0x0  }
0x24: {  	s3 =	sadd.s32 $0x88, s3;
	s6 =	simm.s32 @!p1 $0x1082;
	[sflag:s4] =	ssyncset.s32 $0xFFFFF086  }
0x25: {  	[simem:s6], [sflag:s4] =	dma.local [hbm:s3], $0xF7A  }
0x26: {  	[smem:$0x3F97] =	sst s1;
	(tag) =	ssettag s2;
	_ =	strace s9  }
0x27: {  	s1 =	sld [smem:$0x3FA7]  }
0x28: {  	s2 =	sld [smem:$0x3FA8]  }
0x29: {  	s4 =	sld [smem:$0x3FAA]  }
0x2a: {  	p0 =	seq.s32 s5, $0x0;
	s5 =	sld [smem:$0x3FAB]  }
0x2b: {  	s6 =	sld [smem:$0x3FAC]  }
0x2c: {  	s7 =	sld [smem:$0x3FAD]  }
0x2d: {  	s3 =	simm.s32 $0x108;
	s8 =	sld [smem:$0x3FAE]  }
0x2e: {  	s3 =	simm.s32 @!p0 $0x1082;
	s9 =	sld [smem:$0x3FAF]  }
0x2f: {  	lr =	sadd.s32 s0, s3;
	s0 =	sld [smem:$0x3FA6]  }
0x30: {  	s3 =	sld [smem:$0x3FA9]  }
0x31: {  	[smem:$0x3FB2] =	sst s10  }
0x32: {  	s10 =	sld [smem:$0x3FB0];
	_ =	sdelay $0x3  }
0x33: {  	p0 =	seq.s32 s10, $0x1;
	s10 =	sld [smem:$0x3FB2];
	_ =	sdelay $0x3  }
0x34: {  	[smem:$0x3FB2] =	sst s10  }
0x35: {  	s10 =	sld [smem:$0x3FB1];
	_ =	sdelay $0x3  }
0x36: {  	p1 =	seq.s32 s10, $0x1;
	s10 =	sld [smem:$0x3FB2];
	_ =	sdelay $0x3  }
0x37: {  	[smem:$0x3FB2] =	sst s10  }
0x38: {  	s10 =	sld [smem:$0x3FB3]  }
0x39: {  	_ = 	snop;
	(pc) =	sbr.ind lr, $3  }
0x3a: {  	_ = 	snop  }
0x3b: {  	_ = 	snop  }
0x3c: {  	p2 =	seq.s32 s10, $0x1;
	s10 =	sld [smem:$0x3FB2]  }
0x3d: {  	_ =	shalt  }
0x3e: {  	_ =	shalt  }
0x3f: {  	_ =	shalt  }
0x40: {  	_ =	shalt  }
0x41: {  	_ =	shalt  }
0x42: {  	_ =	shalt  }
0x43: {  	_ =	shalt  }
0x44: {  	_ =	shalt  }
0x45: {  	_ =	shalt  }
0x46: {  	_ =	shalt  }
0x47: {  	_ =	shalt  }
0x48: {  	_ =	shalt  }
0x49: {  	_ =	shalt  }
0x4a: {  	_ =	shalt  }
0x4b: {  	_ =	shalt  }
0x4c: {  	_ =	shalt  }
0x4d: {  	_ =	shalt  }
0x4e: {  	_ =	shalt  }
0x4f: {  	_ =	shalt  }
0x50: {  	_ =	shalt  }
0x51: {  	_ =	shalt  }
0x52: {  	_ =	shalt  }
0x53: {  	_ =	shalt  }
0x54: {  	_ =	shalt  }
0x55: {  	_ =	shalt  }
0x56: {  	_ =	shalt  }
0x57: {  	_ =	shalt  }
0x58: {  	_ =	shalt  }
0x59: {  	_ =	shalt  }
0x5a: {  	_ =	shalt  }
0x5b: {  	_ =	shalt  }
0x5c: {  	_ =	shalt  }
0x5d: {  	_ =	shalt  }
0x5e: {  	_ =	shalt  }
0x5f: {  	_ =	shalt  }
0x60: {  	_ =	shalt  }
0x61: {  	_ =	shalt  }
0x62: {  	_ =	shalt  }
0x63: {  	_ =	shalt  }
0x64: {  	_ =	shalt  }
0x65: {  	_ =	shalt  }
0x66: {  	_ =	shalt  }
0x67: {  	_ =	shalt  }
0x68: {  	_ =	shalt  }
0x69: {  	_ =	shalt  }
0x6a: {  	_ =	shalt  }
0x6b: {  	_ =	shalt  }
0x6c: {  	_ =	shalt  }
0x6d: {  	_ =	shalt  }
0x6e: {  	_ =	shalt  }
0x6f: {  	_ =	shalt  }
0x70: {  	_ =	shalt  }
0x71: {  	_ =	shalt  }
0x72: {  	_ =	shalt  }
0x73: {  	_ =	shalt  }
0x74: {  	_ =	shalt  }
0x75: {  	_ =	shalt  }
0x76: {  	_ =	shalt  }
0x77: {  	_ =	shalt  }
0x78: {  	_ =	shalt  }
0x79: {  	_ =	shalt  }
0x7a: {  	_ =	shalt  }
0x7b: {  	_ =	shalt  }
0x7c: {  	_ =	shalt  }
0x7d: {  	_ =	shalt  }
0x7e: {  	_ =	shalt  }
0x7f: {  	_ =	shalt  }
0x80: {  	_ =	shalt  }
0x81: {  	_ =	shalt  }
0x82: {  	_ =	shalt  }
0x83: {  	_ =	shalt  }
0x84: {  	_ =	shalt  }
0x85: {  	_ =	shalt  }
0x86: {  	_ =	shalt  }
0x87: {  	_ =	shalt  }
.Lfunc_end0:
.L_simem_size_0:
called_computation_lowered:
.L_overlay_start_0:
0x88: {  	s2 =	sld [smem:$0x3FD9]  }
0x89: {  	s3 =	sld [smem:$0x3FFE];
	_ =	sdelay $0x1  }
0x8a: {  	s1 =	srdreg.scid  }
0x8b: {  	s0 =	sand.u32 $0x1, s1  }
0x8c: {  	s16 =	sshll.u32 s0, $0xA;
	s2 =	sadd.s32 s3, s2  }
0x8d: {  	s2 =	sadd.s32 s2, s16  }
0x8e: {  	[smem:$0x3FBE] =	sst s2  }
0x8f: {  	_ = 	snop  }
0x90: {  	(tm) =	ssettm $0x1  }
0x91: {  	s17 =	sld [smem:$0x3FFB];
	_ =	sdelay $0x3  }
0x92: {  	_ =	strace s17  }
0x93: {  	s2 =	sld [smem:$0x3FFC];
	_ =	sdelay $0x3  }
0x94: {  	_ =	strace s2  }
0x95: {  	s2 =	sld [smem:$0x3FFD];
	_ =	sdelay $0x3  }
0x96: {  	_ =	strace s2  }
0x97: {  	_ =	strace $0x8FFFFFFF  }
0x98: {  	s18 =	sld [smem:$0x3FDB];
	_ =	sdelay $0x1  }
0x99: {  	s19 =	simm.s32 $_scs_section_size  }
0x9a: {  	s4 =	simm.s32 $_size__tile_overlayer_lowered;
	s5 =	simm.s32 $_tile_overlayer_lowered  }
0x9b: {  	s22 =	simm.s32 $0x1BFF;
	s21 =	sshll.u32 s5, $0x1;
	s2 =	sadd.s32 s19, s18  }
0x9c: {  	s6 =	simm.s32 $0x0;
	s20 =	sshll.u32 s4, $0x1;
	s4 =	sadd.s32 s21, s2  }
0x9d: {  	[timem:s6], [sflag:s22] =	dma.local [hbm:s4], s20  }
0x9e: {  	_ =	swait.ge [sflag:s22], s20  }
0x9f: {  	s3 =	ssub.s32 $0x0, s20;
	[sflag:s22] =	ssyncset.done $0x0  }
0xa0: {  	[sflag:s22] =	ssyncadd.s32 s3;
	_ =	sdelay $0x1  }
0xa1: {  	s23 =	simm.s32 $0x1B8B  }
0xa2: {  	_ =	swait.ge [sflag:s23], $0x1  }
0xa3: {  	[sflag:s23] =	ssyncset.done $0x0  }
0xa4: {  	s25 =	simm.s32 $0x1B8E;
	s24 =	sld [smem:$0x3FFE];
	[sflag:s23] =	ssyncadd.s32 $0xFFFFFFFF  }
0xa5: {  	s26 =	simm.s32 $execute0_lowered;
	[smem:$0x3FD2] =	sst s25  }
0xa6: {  	s4 =	sshll.u32 s26, $0x1;
	_ =	strace $0x80000046;
	[dreg:$0x1] =	wrdreg $0xFFFFFFFF  }
0xa7: {  	s28 =	simm.s32 $_size_execute0_lowered;
	s2 =	sadd.s32 s2, s4;
	[dreg:$0x0] =	wrdreg $0x0  }
0xa8: {  	s4 =	sshll.u32 s28, $0x1;
	[dreg:$0x2] =	wrdreg s2  }
0xa9: {  	[dreg:$0x3] =	wrdreg s4  }
0xaa: {  	[dreg:$0x4] =	wrdreg $0xC0  }
0xab: {  	_ =	task [dreg:s6], $0x5FFFF  }
0xac: {  	[dreg:$0x1] =	wrdreg $0xFFFFFFFF  }
0xad: {  	[dreg:$0x0] =	wrdreg $0x60  }
0xae: {  	[dreg:$0x2] =	wrdreg s24  }
0xaf: {  	[dreg:$0x3] =	wrdreg $0x68000  }
0xb0: {  	[dreg:$0x4] =	wrdreg $0x9  }
0xb1: {  	_ =	task.clear_ibuf [dreg:s6], $0x5FFFF;
	_ =	strace $0x90000046  }
0xb2: {  	s29 =	simm.s32 $0x9;
	_ =	strace $0x80000048  }
0xb3: {  	_ =	swait.ge [sflag:s29], $0x1  }
0xb4: {  	[sflag:s29] =	ssyncadd.s32 $0xFFFFFFFF  }
0xb5: {  	_ =	strace $0x90000048  }
0xb6: {  	_ =	sfence  }
0xb7: {  	s30 =	sld [smem:$0x0];
	_ =	sdelay $0x2  }
0xb8: {  	s31 =	sshll.u32 s1, $0xD;
	s1 =	sshrl.u32 s1, $0x2  }
0xb9: {  	s3 =	sand.u32 $0x4000, s31;
	s1 =	sadd.s32 s1, s30  }
0xba: {  	s0 =	sor.u32 s3, s0;
	s1 =	sshll.u32 s1, $0x11  }
0xbb: {  	s0 =	sor.u32 s1, s0  }
0xbc: {  	s0 =	sadd.s32 $0x8F2B, s0  }
0xbd: {  	[sflag:s0] =	ssyncadd.remote.s32 $0x1  }
0xbe: {  	_ =	sfence.sel $0xFFFF  }
0xbf: {  	[dreg:$0x0] =	wrdreg $0xFFFFFFFF;
	(pc) =	sbr.abs _section_cstart, $3  }
0xc0: {  	[dreg:$0x1] =	wrdreg $0xFFFFFFFF  }
0xc1: {  	_ =	task.clear_ibuf [dreg:s6], $0x2FFFF;
	_ =	strace $0x9FFFFFFF  }
0xc2: {  	(tm) =	ssettm $0x7FFFFFFF  }
0xc3: {  	_ =	shalt  }
tec
execute0_lowered:
.L_overlay_start_1:
0x0: {  	(tag) =	ssettag $0x1  }
0x1: {  	s4 =	rddreg [dreg:$0x0]  }
0x2: {  	s1 =	rddreg [dreg:$0x1]  }
0x3: {  	s0 =	rddreg [dreg:$0x2];
	s3 =	simm.s32 $0x0;
	s2 =	srdreg.scid  }
0x4: {  	[smem:$0x7FF] =	sst s3;
	s5 =	sand.u32 $0x1, s2;
	s2 =	stileid.u32  }
0x5: {  	s11 =	sadd.s32 $0x1D000, s4;
	_ =	strace $0x80000047;
	s7 =	smul.u32 $0x4E000, s2  }
0x6: {  	s6 =	sshll.u32 s5, $0xB;
	s8 =	ssub.s32 $0x2, s5;
	s9 =	smul.u32 $0x138800, s5  }
0x7: {  	s10 =	smul.u32 $0x13800, s2;
	s5 =	sadd.s32 $0x138000, s1;
	s28 =	sshll.u32 s2, $0xC  }
0x8: {  	p0 =	sne.s32 s2, $0xF;
	s6 =	sadd.s32 s6, s4;
	s26 =	sshrl.u32 s8, $0x1  }
0x9: {  	s7 =	sshrl.u32 s7, $0x2;
	s12 =	ssub.s32 s8, s26;
	s29 =	sadd.s32 s10, s9  }
0xa: {  	s6 =	sadd.s32 s28, s6;
	s31 =	sshrl.u32 s9, $0x3;
	s10 =	simm.s32 $0x4000  }
0xb: {  	s4 =	sadd.s32 s7, s1;
	s30 =	sshrl.u32 s29, $0x3;
	s6 =	sadd.s32 $0xD000, s6  }
0xc: {  	s8 =	sadd.s32 s11, s31;
	s9 =	smax.u32 s12, $0x1;
	s12 =	simm.s32 $0x50  }
0xd: {  	v0 =	vimm.f32 $0.0e+00;
	v1 =	vimm.f32 $1.000000000e+00;
	s7 =	sadd.s32 s11, s30;
	s8 =	sadd.s32 $0x27000, s8;
	s11 =	simm.s32 $0x1  }
.LBB2_1:
0xe: {  	s13 =	simm.s32 $0x0;
	s14 =	simm.s32 $0x0  }
.LBB2_2:
0xf: {  	p1 =	sne.s32 s14, $0x9FC0  }
.Ltmp0:
0x10: {  	_ = 	snop;
	(pc) =	sbr.rel @p1 .LBB2_2-.Ltmp0, $4  }
0x11: {  	s15 =	sand.u32 $0xFE00, s14  }
0x12: {  	s16 =	sand.u32 $0x70, s13;
	s15 =	sshrl.u32 s15, $0x2  }
0x13: {  	s15 =	sor.u32 s16, s15  }
0x14: {  	s13 =	sadd.s32 $0x10, s13;
	s14 =	sadd.s32 $0x40, s14;
	[tilespmem:s15+$0x4000] =	vst v0  }
0x15: {  	s13 =	sadd.s32 $0x0, s4  }
0x16: {  	[spmem:s13] =	stream.linear.scatter [tilespmem:s10], [sflag:$0x1], $0x800, $0x38;
	[tilespmem:$0x1A080] =	vst v63  }
0x17: {  	s13 =	simm.s32 $0x2000;
	_ =	swait.ge [sflag:s11], $0x800  }
.LBB2_4:
0x18: {  	s14 =	sshra.s32 s13, $0x2;
	[sflag:s11] =	ssyncset.done $0x0;
	p1 =	sne.s32 s13, $0x4C000  }
.Ltmp1:
0x19: {  	s14 =	sadd.s32 s14, s4;
	[sflag:s11] =	ssyncadd.s32 $0xFFFFF800;
	(pc) =	sbr.rel @p1 .LBB2_4-.Ltmp1, $3  }
0x1a: {  	[spmem:s14] =	stream.linear.scatter [tilespmem:s10], [sflag:$0x1], $0x800, $0x38;
	[tilespmem:$0x1A080] =	vst v63  }
0x1b: {  	s13 =	sadd.s32 $0x2000, s13;
	_ =	sdelay $0x1  }
0x1c: {  	_ =	swait.ge [sflag:s11], $0x800  }
0x1d: {  	[sflag:s11] =	ssyncset.done $0x0  }
0x1e: {  	s13 =	simm.s32 @!p0 $0x4000;
	[sflag:s11] =	ssyncadd.s32 $0xFFFFF800  }
0x1f: {  	[spmem:s5] =	stream.linear.scatter @!p0 [tilespmem:s13], [sflag:$0x1], $0x800, $0x38;
	[tilespmem:$0x1A080] =	vst v63  }
0x20: {  	s14 =	simm.s32 @!p0 $0x1;
	s13 =	simm.s32 $0x0  }
0x21: {  	_ =	swait.ge @!p0 [sflag:s14], $0x800;
	s15 =	sand.u32 $0xFE00, s13  }
0x22: {  	s16 =	sand.u32 $0x70, s13;
	[sflag:s14] =	ssyncset.done @!p0 $0x0;
	s15 =	sshrl.u32 s15, $0x2  }
0x23: {  	[sflag:s14] =	ssyncadd.s32 @!p0 $0xFFFFF800;
	s14 =	simm.s32 $0x40;
	s15 =	sor.u32 s16, s15  }
.LBB2_6:
0x24: {  	p1 =	sne.s32 s14, $0x9FC0  }
0x25: {  	[tilespmem:s15+$0x4000] =	vst v1;
	s13 =	sadd.s32 $0x10, s13;
	s15 =	smov.u32 s14;
	s14 =	sadd.s32 $0x40, s14  }
.Ltmp2:
0x26: {  	(pc) =	sbr.rel @p1 .LBB2_6-.Ltmp2, $4  }
0x27: {  	_ = 	snop  }
0x28: {  	s15 =	sand.u32 $0xFE00, s15  }
0x29: {  	s16 =	sand.u32 $0x70, s13;
	s15 =	sshrl.u32 s15, $0x2  }
0x2a: {  	s15 =	sor.u32 s16, s15  }
0x2b: {  	[tilespmem:s15+$0x4000] =	vst v1;
	s13 =	simm.s32 $0x0  }
0x2c: {  	[tilespmem:s13], [sflag:$0x1] =	stream.linear.gather [hbm4b:s6+s13], $0x3E80, $0x38;
	[tilespmem:$0x1A080] =	vst v63  }
0x2d: {  	_ =	swait.ge [sflag:s11], $0x3E80  }
0x2e: {  	[sflag:s11] =	ssyncset.done $0x0  }
0x2f: {  	[sflag:s11] =	ssyncadd.s32 $0xFFFFC180  }
0x30: {  	s31 =	simm.s32 $0x0;
	[bflag:$0x0] =	sbarrier.arrive $0xFFFF  }
0x31: {  	[spmem:s1] =	stream.indirect.scatter.add.f32 [tilespmem:s10], [sflag:$0x1], $0x80, s31, s12, $0xb8;
	[tilespmem:$0x1A080] =	vst v63  }
0x32: {  	_ =	swait.ge [sflag:s11], $0x2800  }
0x33: {  	s13 =	simm.s32 $0x200;
	[sflag:s11] =	ssyncset.done $0x0  }
.LBB2_8:
0x34: {  	s14 =	sshra.s32 s13, $0x2;
	[sflag:s11] =	ssyncadd.s32 $0xFFFFD800;
	p1 =	sne.s32 s13, $0xF800  }
0x35: {  	[spmem:s1] =	stream.indirect.scatter.add.f32 [tilespmem:s10], [sflag:$0x1], $0x80, s14, s12, $0xb8;
	[tilespmem:$0x1A080] =	vst v63  }
.Ltmp3:
0x36: {  	_ = 	snop;
	(pc) =	sbr.rel @p1 .LBB2_8-.Ltmp3, $4  }
0x37: {  	_ = 	snop  }
0x38: {  	s13 =	sadd.s32 $0x200, s13  }
0x39: {  	_ =	swait.ge [sflag:s11], $0x2800  }
0x3a: {  	[sflag:s11] =	ssyncset.done $0x0  }
0x3b: {  	[sflag:s11] =	ssyncadd.s32 $0xFFFFD800;
	s13 =	sshll.u32 s2, $0x6  }
0x3c: {  	s14 =	sshrl.u32 s4, $0x3;
	[bflag:$0x0] =	sbarrier.arrive $0xFFFF;
	s13 =	sor.u32 $0x1C01, s13  }
0x3d: {  	[hbm:s7], [sflag:s13] =	dma.local [spmem:s14], $0x2700  }
0x3e: {  	_ =	swait.ge [sflag:s11], $0x2700  }
0x3f: {  	s3 =	sadd.s32 $0x1, s3;
	[sflag:s11] =	ssyncset.done $0x0  }
0x40: {  	p1 =	sne.s32 s3, s9;
	s14 =	sshrl.u32 @!p0 s5, $0x3;
	[sflag:s11] =	ssyncadd.s32 $0xFFFFD900  }
0x41: {  	[hbm:s8], [sflag:s13] =	dma.local @!p0 [spmem:s14], $0x100  }
.Ltmp4:
0x42: {  	_ = 	snop;
	(pc) =	sbr.rel @p1 .LBB2_1-.Ltmp4, $4  }
0x43: {  	s13 =	simm.s32 @!p0 $0x1  }
0x44: {  	_ =	swait.ge @!p0 [sflag:s13], $0x100  }
0x45: {  	[sflag:s13] =	ssyncset.done @!p0 $0x0  }
0x46: {  	[sflag:s13] =	ssyncadd.s32 @!p0 $0xFFFFFF00  }
0x47: {  	_ =	sfence.sel $0x180000  }
0x48: {  	[bflag:$0x0] =	sbarrier.arrive $0xFFFF  }
0x49: {  	p0 =	sne.s32 s2, $0x0;
	_ =	strace $0x90000047  }
0x4a: {  	s0 =	sadd.s32 @!p0 $0x100000, s0;
	[bflag:$0x2] =	sbarrier.arrive $0xFFFF  }
0x4b: {  	[sflag:s0] =	ssyncadd.tile.s32 @!p0 $0x1;
	_ =	shalt  }
.Lfunc_end2:
_tile_overlayer_lowered:
.L_overlay_start_2:
0x4c: {  	(tag) =	ssettag $0x2  }
0x4d: {  	s0 =	rddreg [dreg:$0x0];
	s2 =	stileid.u32  }
0x4e: {  	s1 =	rddreg [dreg:$0x1];
	p0 =	sne.s32 s2, $0x0  }
0x4f: {  	s3 =	rddreg [dreg:$0x2];
	[bflag:$0x3] =	sbarrier.arrive $0xFFFF;
	s2 =	simm.s32 @!p0 $0x1C01  }
0x50: {  	[timem:s3], [sflag:s2] =	dma.local @!p0 [hbm:s0], s1  }
0x51: {  	s0 =	simm.s32 @!p0 $0x1  }
0x52: {  	_ =	swait.ge @!p0 [sflag:s0], s1  }
0x53: {  	s1 =	ssub.s32 @!p0 $0x0, s1;
	[sflag:s0] =	ssyncset.done @!p0 $0x0  }
0x54: {  	[sflag:s0] =	ssyncadd.s32 @!p0 s1  }
0x55: {  	[bflag:$0x3] =	sbarrier.arrive $0xFFFF  }
0x56: {  	_ =	shalt  }

// kernel: kernel.13.cloned.1.call-start
scs
__scs_entry_jumppad:
0x0: {  	(pc) =	sbr.rel $0x88, $3  }
0x1: {  	(tag) =	ssettag $0x0;
	lr =	simm.s32 $0x1  }
0x2: {  	[smem:$0x3F97] =	sst lr;
	_ =	strace $0xD0000000  }
0x3: {  	_ = 	snop  }
0x4: {  	_ = 	snop  }
0x5: {  	_ = 	snop  }
0x6: {  	_ = 	snop  }
0x7: {  	_ = 	snop  }
__scs_overlays_trampoline_lowered:
0x8: {  	[smem:$0x3FA6] =	sst s0  }
0x9: {  	[smem:$0x3FA7] =	sst s1  }
0xa: {  	[smem:$0x3FA8] =	sst s2  }
0xb: {  	[smem:$0x3FA9] =	sst s3  }
0xc: {  	[smem:$0x3FAA] =	sst s4  }
0xd: {  	[smem:$0x3FAB] =	sst s5  }
0xe: {  	[smem:$0x3FAC] =	sst s6  }
0xf: {  	[smem:$0x3FAD] =	sst s7  }
0x10: {  	[smem:$0x3FAE] =	sst s8  }
0x11: {  	[smem:$0x3FAF] =	sst s9;
	s0 =	simm.s32 @!p0 $0x0  }
0x12: {  	s1 =	sld [smem:$0x3F95];
	s0 =	simm.s32 @p0 $0x1  }
0x13: {  	[smem:$0x3FB0] =	sst s0;
	s0 =	simm.s32 @!p1 $0x0  }
0x14: {  	s2 =	sld [smem:$0x3F94];
	s0 =	simm.s32 @p1 $0x1  }
0x15: {  	[smem:$0x3FB1] =	sst s0;
	s0 =	simm.s32 @!p2 $0x0  }
0x16: {  	s3 =	sld [smem:$0x3FDB];
	s0 =	simm.s32 @p2 $0x1  }
0x17: {  	s4 =	simm.s32 $0x1BF5;
	[smem:$0x3FB3] =	sst s0  }
0x18: {  	s0 =	sld [smem:$0x3F96];
	_ =	swait.ge [sflag:s4], $0x0  }
0x19: {  	s7 =	sld [smem:$0x3F97]  }
0x1a: {  	s8 =	sadd.s32 $0xFFFFE003, lr  }
0x1b: {  	s9 =	sadd.s32 $0xFFFFFEF7, lr;
	s5 =	simm.s32 $0xFFFFFFFF;
	p2 =	slt.u32 s8, $0xFFFFF086  }
0x1c: {  	p1 =	slt.u32 s9, $0xF7A;
	s5 =	simm.s32 @!p2 $0x0  }
0x1d: {  	s5 =	simm.s32 @p1 $0x1;
	p0 =	seq.s32 s7, s2  }
0x1e: {  	s7 =	smul.u32 @!p0 $0xF7A, s2;
	p2 =	seq.s32 @!p0 s5, $0x0  }
0x1f: {  	s9 =	smul.u32 $0xF7A, s1;
	s8 =	simm.s32 @!p0 $0x1BF5;
	p2 =	por !p2, p0  }
0x20: {  	[sflag:s8] =	ssyncset.s32 @!p0 $0xFFFFF086;
	s6 =	sadd.s32 @!p0 s3, s7;
	s7 =	simm.s32 @!p0 $0x108  }
0x21: {  	s3 =	sadd.s32 s3, s9;
	s6 =	sadd.s32 @!p0 $0x88, s6;
	s7 =	simm.s32 @p2 $0x1082  }
0x22: {  	[simem:s7], [sflag:s8] =	dma.local @!p0 [hbm:s6], $0xF7A  }
0x23: {  	s9 =	sor.u32 $0xD0000000, s2;
	s6 =	simm.s32 $0x108;
	_ =	swait.ge @!p0 [sflag:s8], $0x0  }
0x24: {  	s3 =	sadd.s32 $0x88, s3;
	s6 =	simm.s32 @!p1 $0x1082;
	[sflag:s4] =	ssyncset.s32 $0xFFFFF086  }
0x25: {  	[simem:s6], [sflag:s4] =	dma.local [hbm:s3], $0xF7A  }
0x26: {  	[smem:$0x3F97] =	sst s1;
	(tag) =	ssettag s2;
	_ =	strace s9  }
0x27: {  	s1 =	sld [smem:$0x3FA7]  }
0x28: {  	s2 =	sld [smem:$0x3FA8]  }
0x29: {  	s4 =	sld [smem:$0x3FAA]  }
0x2a: {  	p0 =	seq.s32 s5, $0x0;
	s5 =	sld [smem:$0x3FAB]  }
0x2b: {  	s6 =	sld [smem:$0x3FAC]  }
0x2c: {  	s7 =	sld [smem:$0x3FAD]  }
0x2d: {  	s3 =	simm.s32 $0x108;
	s8 =	sld [smem:$0x3FAE]  }
0x2e: {  	s3 =	simm.s32 @!p0 $0x1082;
	s9 =	sld [smem:$0x3FAF]  }
0x2f: {  	lr =	sadd.s32 s0, s3;
	s0 =	sld [smem:$0x3FA6]  }
0x30: {  	s3 =	sld [smem:$0x3FA9]  }
0x31: {  	[smem:$0x3FB2] =	sst s10  }
0x32: {  	s10 =	sld [smem:$0x3FB0];
	_ =	sdelay $0x3  }
0x33: {  	p0 =	seq.s32 s10, $0x1;
	s10 =	sld [smem:$0x3FB2];
	_ =	sdelay $0x3  }
0x34: {  	[smem:$0x3FB2] =	sst s10  }
0x35: {  	s10 =	sld [smem:$0x3FB1];
	_ =	sdelay $0x3  }
0x36: {  	p1 =	seq.s32 s10, $0x1;
	s10 =	sld [smem:$0x3FB2];
	_ =	sdelay $0x3  }
0x37: {  	[smem:$0x3FB2] =	sst s10  }
0x38: {  	s10 =	sld [smem:$0x3FB3]  }
0x39: {  	_ = 	snop;
	(pc) =	sbr.ind lr, $3  }
0x3a: {  	_ = 	snop  }
0x3b: {  	_ = 	snop  }
0x3c: {  	p2 =	seq.s32 s10, $0x1;
	s10 =	sld [smem:$0x3FB2]  }
0x3d: {  	_ =	shalt  }
0x3e: {  	_ =	shalt  }
0x3f: {  	_ =	shalt  }
0x40: {  	_ =	shalt  }
0x41: {  	_ =	shalt  }
0x42: {  	_ =	shalt  }
0x43: {  	_ =	shalt  }
0x44: {  	_ =	shalt  }
0x45: {  	_ =	shalt  }
0x46: {  	_ =	shalt  }
0x47: {  	_ =	shalt  }
0x48: {  	_ =	shalt  }
0x49: {  	_ =	shalt  }
0x4a: {  	_ =	shalt  }
0x4b: {  	_ =	shalt  }
0x4c: {  	_ =	shalt  }
0x4d: {  	_ =	shalt  }
0x4e: {  	_ =	shalt  }
0x4f: {  	_ =	shalt  }
0x50: {  	_ =	shalt  }
0x51: {  	_ =	shalt  }
0x52: {  	_ =	shalt  }
0x53: {  	_ =	shalt  }
0x54: {  	_ =	shalt  }
0x55: {  	_ =	shalt  }
0x56: {  	_ =	shalt  }
0x57: {  	_ =	shalt  }
0x58: {  	_ =	shalt  }
0x59: {  	_ =	shalt  }
0x5a: {  	_ =	shalt  }
0x5b: {  	_ =	shalt  }
0x5c: {  	_ =	shalt  }
0x5d: {  	_ =	shalt  }
0x5e: {  	_ =	shalt  }
0x5f: {  	_ =	shalt  }
0x60: {  	_ =	shalt  }
0x61: {  	_ =	shalt  }
0x62: {  	_ =	shalt  }
0x63: {  	_ =	shalt  }
0x64: {  	_ =	shalt  }
0x65: {  	_ =	shalt  }
0x66: {  	_ =	shalt  }
0x67: {  	_ =	shalt  }
0x68: {  	_ =	shalt  }
0x69: {  	_ =	shalt  }
0x6a: {  	_ =	shalt  }
0x6b: {  	_ =	shalt  }
0x6c: {  	_ =	shalt  }
0x6d: {  	_ =	shalt  }
0x6e: {  	_ =	shalt  }
0x6f: {  	_ =	shalt  }
0x70: {  	_ =	shalt  }
0x71: {  	_ =	shalt  }
0x72: {  	_ =	shalt  }
0x73: {  	_ =	shalt  }
0x74: {  	_ =	shalt  }
0x75: {  	_ =	shalt  }
0x76: {  	_ =	shalt  }
0x77: {  	_ =	shalt  }
0x78: {  	_ =	shalt  }
0x79: {  	_ =	shalt  }
0x7a: {  	_ =	shalt  }
0x7b: {  	_ =	shalt  }
0x7c: {  	_ =	shalt  }
0x7d: {  	_ =	shalt  }
0x7e: {  	_ =	shalt  }
0x7f: {  	_ =	shalt  }
0x80: {  	_ =	shalt  }
0x81: {  	_ =	shalt  }
0x82: {  	_ =	shalt  }
0x83: {  	_ =	shalt  }
0x84: {  	_ =	shalt  }
0x85: {  	_ =	shalt  }
0x86: {  	_ =	shalt  }
0x87: {  	_ =	shalt  }
.Lfunc_end0:
.L_simem_size_0:
called_computation.1_lowered:
.L_overlay_start_0:
0x88: {  	s2 =	sld [smem:$0x3FD9]  }
0x89: {  	s3 =	sld [smem:$0x3FFE];
	_ =	sdelay $0x1  }
0x8a: {  	s1 =	srdreg.scid  }
0x8b: {  	s0 =	sand.u32 $0x1, s1  }
0x8c: {  	s16 =	sshll.u32 s0, $0xA;
	s2 =	sadd.s32 s3, s2  }
0x8d: {  	s2 =	sadd.s32 s2, s16  }
0x8e: {  	[smem:$0x3FBE] =	sst s2  }
0x8f: {  	_ = 	snop  }
0x90: {  	(tm) =	ssettm $0x1  }
0x91: {  	s17 =	sld [smem:$0x3FFB];
	_ =	sdelay $0x3  }
0x92: {  	_ =	strace s17  }
0x93: {  	s2 =	sld [smem:$0x3FFC];
	_ =	sdelay $0x3  }
0x94: {  	_ =	strace s2  }
0x95: {  	s2 =	sld [smem:$0x3FFD];
	_ =	sdelay $0x3  }
0x96: {  	_ =	strace s2  }
0x97: {  	_ =	strace $0x8FFFFFFF  }
0x98: {  	s18 =	sld [smem:$0x3FDB];
	_ =	sdelay $0x1  }
0x99: {  	s19 =	simm.s32 $_scs_section_size  }
0x9a: {  	s4 =	simm.s32 $_size__tile_overlayer_lowered;
	s5 =	simm.s32 $_tile_overlayer_lowered  }
0x9b: {  	s22 =	simm.s32 $0x1BFF;
	s21 =	sshll.u32 s5, $0x1;
	s2 =	sadd.s32 s19, s18  }
0x9c: {  	s6 =	simm.s32 $0x0;
	s20 =	sshll.u32 s4, $0x1;
	s4 =	sadd.s32 s21, s2  }
0x9d: {  	[timem:s6], [sflag:s22] =	dma.local [hbm:s4], s20  }
0x9e: {  	_ =	swait.ge [sflag:s22], s20  }
0x9f: {  	s3 =	ssub.s32 $0x0, s20;
	[sflag:s22] =	ssyncset.done $0x0  }
0xa0: {  	[sflag:s22] =	ssyncadd.s32 s3;
	_ =	sdelay $0x1  }
0xa1: {  	s23 =	simm.s32 $0x1B8B  }
0xa2: {  	_ =	swait.ge [sflag:s23], $0x1  }
0xa3: {  	[sflag:s23] =	ssyncset.done $0x0  }
0xa4: {  	s25 =	simm.s32 $0x1B8E;
	s24 =	sld [smem:$0x3FFE];
	[sflag:s23] =	ssyncadd.s32 $0xFFFFFFFF  }
0xa5: {  	s26 =	simm.s32 $execute0_lowered;
	[smem:$0x3FD2] =	sst s25  }
0xa6: {  	s4 =	sshll.u32 s26, $0x1;
	_ =	strace $0x80000049;
	[dreg:$0x1] =	wrdreg $0xFFFFFFFF  }
0xa7: {  	s28 =	simm.s32 $_size_execute0_lowered;
	s2 =	sadd.s32 s2, s4;
	[dreg:$0x0] =	wrdreg $0x0  }
0xa8: {  	s4 =	sshll.u32 s28, $0x1;
	[dreg:$0x2] =	wrdreg s2  }
0xa9: {  	[dreg:$0x3] =	wrdreg s4  }
0xaa: {  	[dreg:$0x4] =	wrdreg $0xC0  }
0xab: {  	_ =	task [dreg:s6], $0x5FFFF  }
0xac: {  	[dreg:$0x1] =	wrdreg $0xFFFFFFFF  }
0xad: {  	[dreg:$0x0] =	wrdreg $0x60  }
0xae: {  	[dreg:$0x2] =	wrdreg s24  }
0xaf: {  	[dreg:$0x3] =	wrdreg $0xB7800  }
0xb0: {  	[dreg:$0x4] =	wrdreg $0x9  }
0xb1: {  	_ =	task.clear_ibuf [dreg:s6], $0x5FFFF;
	_ =	strace $0x90000049  }
0xb2: {  	s29 =	simm.s32 $0x9;
	_ =	strace $0x8000004B  }
0xb3: {  	_ =	swait.ge [sflag:s29], $0x1  }
0xb4: {  	[sflag:s29] =	ssyncadd.s32 $0xFFFFFFFF  }
0xb5: {  	_ =	strace $0x9000004B  }
0xb6: {  	_ =	sfence  }
0xb7: {  	s30 =	sld [smem:$0x0];
	_ =	sdelay $0x2  }
0xb8: {  	s31 =	sshll.u32 s1, $0xD;
	s1 =	sshrl.u32 s1, $0x2  }
0xb9: {  	s3 =	sand.u32 $0x4000, s31;
	s1 =	sadd.s32 s1, s30  }
0xba: {  	s0 =	sor.u32 s3, s0;
	s1 =	sshll.u32 s1, $0x11  }
0xbb: {  	s0 =	sor.u32 s1, s0  }
0xbc: {  	s0 =	sadd.s32 $0x8F2B, s0  }
0xbd: {  	[sflag:s0] =	ssyncadd.remote.s32 $0x1  }
0xbe: {  	_ =	sfence.sel $0xFFFF  }
0xbf: {  	[dreg:$0x0] =	wrdreg $0xFFFFFFFF;
	(pc) =	sbr.abs _section_cstart, $3  }
0xc0: {  	[dreg:$0x1] =	wrdreg $0xFFFFFFFF  }
0xc1: {  	_ =	task.clear_ibuf [dreg:s6], $0x2FFFF;
	_ =	strace $0x9FFFFFFF  }
0xc2: {  	(tm) =	ssettm $0x7FFFFFFF  }
0xc3: {  	_ =	shalt  }
tec
execute0_lowered:
.L_overlay_start_1:
0x0: {  	(tag) =	ssettag $0x1  }
0x1: {  	s5 =	rddreg [dreg:$0x0];
	s1 =	srdreg.scid  }
0x2: {  	s0 =	stileid.u32;
	s2 =	rddreg [dreg:$0x1];
	s3 =	simm.s32 $0x0  }
0x3: {  	s14 =	simm.s32 $0x1;
	s15 =	simm.s32 $0x50;
	s16 =	simm.s32 $0x6580  }
0x4: {  	s6 =	sand.u32 $0x1, s1;
	s4 =	sshll.u32 s0, $0x1;
	s1 =	rddreg [dreg:$0x2]  }
0x5: {  	[smem:$0x7FF] =	sst s3;
	s28 =	smul.u32 $0x4E000, s0;
	s10 =	sadd.s32 $0x6B400, s5  }
0x6: {  	s12 =	smul.u32 $0x13800, s0;
	p0 =	sne.s32 s0, $0xF;
	_ =	strace $0x8000004A  }
0x7: {  	s7 =	sor.u32 s6, s4;
	s4 =	sadd.s32 $0x1D000, s5;
	s11 =	smul.u32 $0x138800, s6  }
0x8: {  	s29 =	ssub.s32 $0x2, s6;
	s8 =	smul.u32 $0x4E2, s7;
	s7 =	sshll.u32 s7, $0xB  }
0x9: {  	s6 =	sadd.s32 $0x138000, s2;
	s30 =	sshrl.u32 s29, $0x1;
	s9 =	sadd.s32 s7, s5  }
0xa: {  	s7 =	sshrl.u32 s28, $0x2;
	s13 =	ssub.s32 s29, s30;
	s12 =	sadd.s32 s12, s11  }
0xb: {  	s11 =	sshrl.u32 s11, $0x3;
	s8 =	sadd.s32 s8, s5;
	s5 =	sadd.s32 s7, s2  }
0xc: {  	s31 =	sshrl.u32 s12, $0x3;
	s11 =	sadd.s32 s10, s11;
	s12 =	simm.s32 $0x6780  }
0xd: {  	s7 =	sadd.s32 $0x3200, s8;
	s8 =	sadd.s32 $0xD000, s9;
	s9 =	sadd.s32 s10, s31  }
0xe: {  	v0 =	vimm.f32 $0.0e+00;
	s10 =	sadd.s32 $0x27000, s11;
	s11 =	smax.u32 s13, $0x1;
	s13 =	simm.s32 $0x2  }
.LBB2_1:
0xf: {  	s17 =	simm.s32 $0x0;
	s18 =	simm.s32 $0x0  }
.LBB2_2:
0x10: {  	p1 =	sne.s32 s18, $0x1FC0  }
.Ltmp0:
0x11: {  	_ = 	snop;
	(pc) =	sbr.rel @p1 .LBB2_2-.Ltmp0, $4  }
0x12: {  	s19 =	sand.u32 $0x1E00, s18  }
0x13: {  	s20 =	sand.u32 $0x70, s17;
	s19 =	sshrl.u32 s19, $0x2  }
0x14: {  	s19 =	sor.u32 s20, s19  }
0x15: {  	s17 =	sadd.s32 $0x10, s17;
	s18 =	sadd.s32 $0x40, s18;
	[tilespmem:s19+$0x6780] =	vst v0  }
0x16: {  	s17 =	sadd.s32 $0x0, s5  }
0x17: {  	[spmem:s17] =	stream.linear.scatter [tilespmem:s12], [sflag:$0x2], $0x800, $0x38;
	[tilespmem:$0x1F000] =	vst v63  }
0x18: {  	s17 =	simm.s32 $0x2000;
	_ =	swait.ge [sflag:s13], $0x800  }
.LBB2_4:
0x19: {  	s18 =	sshra.s32 s17, $0x2;
	[sflag:s13] =	ssyncset.done $0x0;
	p1 =	sne.s32 s17, $0x4C000  }
.Ltmp1:
0x1a: {  	s18 =	sadd.s32 s18, s5;
	[sflag:s13] =	ssyncadd.s32 $0xFFFFF800;
	(pc) =	sbr.rel @p1 .LBB2_4-.Ltmp1, $3  }
0x1b: {  	[spmem:s18] =	stream.linear.scatter [tilespmem:s12], [sflag:$0x2], $0x800, $0x38;
	[tilespmem:$0x1F000] =	vst v63  }
0x1c: {  	s17 =	sadd.s32 $0x2000, s17;
	_ =	sdelay $0x1  }
0x1d: {  	_ =	swait.ge [sflag:s13], $0x800  }
0x1e: {  	[sflag:s13] =	ssyncset.done $0x0  }
0x1f: {  	s17 =	simm.s32 @!p0 $0x6780;
	[sflag:s13] =	ssyncadd.s32 $0xFFFFF800  }
0x20: {  	[spmem:s6] =	stream.linear.scatter @!p0 [tilespmem:s17], [sflag:$0x2], $0x800, $0x38;
	[tilespmem:$0x1F000] =	vst v63  }
0x21: {  	s17 =	simm.s32 @!p0 $0x2  }
0x22: {  	_ =	swait.ge @!p0 [sflag:s17], $0x800  }
0x23: {  	[sflag:s17] =	ssyncset.done @!p0 $0x0  }
0x24: {  	s30 =	simm.s32 $0x0;
	[sflag:s17] =	ssyncadd.s32 @!p0 $0xFFFFF800  }
0x25: {  	[tilespmem:s30], [sflag:$0x2] =	stream.linear.gather [hbm4b:s7+s30], $0x2710, $0x38;
	[tilespmem:$0x1F000] =	vst v63  }
0x26: {  	_ =	swait.ge [sflag:s13], $0x2710  }
0x27: {  	[sflag:s13] =	ssyncset.done $0x0  }
0x28: {  	s18 =	simm.s32 $0x2780;
	[sflag:s13] =	ssyncadd.s32 $0xFFFFD8F0  }
0x29: {  	[tilespmem:s18], [sflag:$0x2] =	stream.linear.gather [hbm4b:s8+s30], $0x3E80, $0x38;
	[tilespmem:$0x1F000] =	vst v63  }
0x2a: {  	_ =	swait.ge [sflag:s13], $0x3E80  }
0x2b: {  	s17 =	sand.u32 $0x1, s30;
	[sflag:s13] =	ssyncset.done $0x0  }
0x2c: {  	s20 =	sxor.u32 $0x1, s17;
	[sflag:s13] =	ssyncadd.s32 $0xFFFFC180  }
0x2d: {  	s19 =	simm.s32 $0x50;
	s20 =	smul.u32 $0xA000, s20;
	[bflag:$0x0] =	sbarrier.arrive $0xFFFF  }
0x2e: {  	[tilespmem:s12], [sflag:$0x1] =	stream.indirect.gather [hbm4b:s4+s19], $0x80, s30, s19, $0xb8;
	[tilespmem:$0x1F000] =	vst v63  }
0x2f: {  	s17 =	smul.u32 $0xA000, s17;
	_ =	swait.ge [sflag:s14], $0x2800  }
0x30: {  	s31 =	simm.s32 $0x1;
	s20 =	sshrl.u32 s20, $0x2;
	[sflag:s14] =	ssyncset.done $0x0  }
0x31: {  	s17 =	sshrl.u32 s17, $0x2;
	s20 =	sadd.s32 $0x6780, s20;
	[sflag:s14] =	ssyncadd.s32 $0xFFFFD800  }
0x32: {  	[tilespmem:s20], [sflag:$0x1] =	stream.indirect.gather [hbm4b:s4+s15], $0x80, s19, s15, $0xb8;
	[tilespmem:$0x1F000] =	vst v63  }
0x33: {  	s17 =	sadd.s32 $0x6780, s17;
	s20 =	simm.s32 $0x2;
	s19 =	sand.u32 $0x1, s31  }
0x34: {  	[spmem:s2] =	stream.indirect.scatter.add.f32 [tilespmem:s17], [sflag:$0x2], $0x80, s18, s15, $0xb8;
	[tilespmem:$0x1F000] =	vst v63  }
0x35: {  	s17 =	simm.s32 $0xA0;
	s18 =	simm.s32 $0x2800;
	_ =	swait.ge [sflag:s13], $0x2800  }
.LBB2_6:
0x36: {  	s21 =	sxor.u32 $0x1, s19  }
0x37: {  	[sflag:s13] =	ssyncset.done $0x0;
	s22 =	smov.u32 s20;
	s23 =	sadd.s32 $0x1, s20  }
0x38: {  	p1 =	sne.s32 s20, $0x7B;
	s20 =	smul.u32 $0xA000, s21;
	[sflag:s13] =	ssyncadd.s32 $0xFFFFD800  }
0x39: {  	_ =	swait.ge [sflag:s14], $0x2800  }
0x3a: {  	s19 =	smul.u32 $0xA000, s19;
	[sflag:s14] =	ssyncset.done $0x0;
	s20 =	sshrl.u32 s20, $0x2  }
0x3b: {  	[sflag:s14] =	ssyncadd.s32 $0xFFFFD800;
	s20 =	sadd.s32 $0x6780, s20  }
0x3c: {  	[tilespmem:s20], [sflag:$0x1] =	stream.indirect.gather [hbm4b:s4+s15], $0x80, s17, s15, $0xb8;
	[tilespmem:$0x1F000] =	vst v63  }
.Ltmp2:
0x3d: {  	_ = 	snop;
	(pc) =	sbr.rel @p1 .LBB2_6-.Ltmp2, $4  }
0x3e: {  	s19 =	sshrl.u32 s19, $0x2  }
0x3f: {  	s19 =	sadd.s32 $0x6780, s19;
	s17 =	sadd.s32 $0x50, s17;
	s20 =	smov.u32 s23  }
0x40: {  	[spmem:s2] =	stream.indirect.scatter.add.f32 [tilespmem:s19], [sflag:$0x2], $0x80, s18, s15, $0xb8;
	[tilespmem:$0x1F000] =	vst v63  }
0x41: {  	s19 =	sand.u32 $0x1, s22;
	s18 =	sadd.s32 $0x80, s18;
	_ =	swait.ge [sflag:s13], $0x2800  }
0x42: {  	s20 =	sxor.u32 $0x1, s19;
	[sflag:s13] =	ssyncset.done $0x0  }
0x43: {  	s20 =	smul.u32 $0xA000, s20;
	[sflag:s13] =	ssyncadd.s32 $0xFFFFD800  }
0x44: {  	s28 =	smul.u32 $0xA000, s19;
	_ =	swait.ge [sflag:s14], $0x2800  }
0x45: {  	[sflag:s14] =	ssyncset.done $0x0;
	s20 =	sshrl.u32 s20, $0x2  }
0x46: {  	s29 =	sshrl.u32 s28, $0x2;
	[sflag:s14] =	ssyncadd.s32 $0xFFFFD800;
	s20 =	sadd.s32 $0x6780, s20  }
0x47: {  	[tilespmem:s20], [sflag:$0x1] =	stream.indirect.gather [hbm4b:s4+s15], $0x80, s17, s15, $0xb8;
	[tilespmem:$0x1F000] =	vst v63  }
0x48: {  	s17 =	sadd.s32 $0x6780, s29  }
0x49: {  	[spmem:s2] =	stream.indirect.scatter.add.f32 [tilespmem:s17], [sflag:$0x2], $0x80, s18, s15, $0xb8;
	[tilespmem:$0x1F000] =	vst v63  }
0x4a: {  	_ =	swait.ge [sflag:s13], $0x2800  }
0x4b: {  	[sflag:s13] =	ssyncset.done $0x0  }
0x4c: {  	[sflag:s13] =	ssyncadd.s32 $0xFFFFD800  }
0x4d: {  	_ =	swait.ge [sflag:s14], $0x2800  }
0x4e: {  	[sflag:s14] =	ssyncset.done $0x0  }
0x4f: {  	[sflag:s14] =	ssyncadd.s32 $0xFFFFD800  }
0x50: {  	[spmem:s2] =	stream.indirect.scatter.add.f32 [tilespmem:s12], [sflag:$0x2], $0x80, s16, s15, $0xb8;
	[tilespmem:$0x1F000] =	vst v63  }
0x51: {  	_ =	swait.ge [sflag:s13], $0x2800  }
0x52: {  	[sflag:s13] =	ssyncset.done $0x0  }
0x53: {  	s30 =	sshll.u32 s0, $0x6;
	[sflag:s13] =	ssyncadd.s32 $0xFFFFD800  }
0x54: {  	s31 =	sshrl.u32 s5, $0x3;
	s17 =	sor.u32 $0x1C02, s30;
	[bflag:$0x0] =	sbarrier.arrive $0xFFFF  }
0x55: {  	[hbm:s9], [sflag:s17] =	dma.local [spmem:s31], $0x2700  }
0x56: {  	_ =	swait.ge [sflag:s13], $0x2700  }
0x57: {  	s3 =	sadd.s32 $0x1, s3;
	[sflag:s13] =	ssyncset.done $0x0  }
0x58: {  	p1 =	sne.s32 s3, s11;
	s18 =	sshrl.u32 @!p0 s6, $0x3;
	[sflag:s13] =	ssyncadd.s32 $0xFFFFD900  }
0x59: {  	[hbm:s10], [sflag:s17] =	dma.local @!p0 [spmem:s18], $0x100  }
.Ltmp3:
0x5a: {  	_ = 	snop;
	(pc) =	sbr.rel @p1 .LBB2_1-.Ltmp3, $4  }
0x5b: {  	s17 =	simm.s32 @!p0 $0x2  }
0x5c: {  	_ =	swait.ge @!p0 [sflag:s17], $0x100  }
0x5d: {  	[sflag:s17] =	ssyncset.done @!p0 $0x0  }
0x5e: {  	[sflag:s17] =	ssyncadd.s32 @!p0 $0xFFFFFF00  }
0x5f: {  	_ =	sfence.sel $0x180000  }
0x60: {  	[bflag:$0x0] =	sbarrier.arrive $0xFFFF  }
0x61: {  	p0 =	sne.s32 s0, $0x0;
	_ =	strace $0x9000004A  }
0x62: {  	s0 =	sadd.s32 @!p0 $0x100000, s1;
	[bflag:$0x2] =	sbarrier.arrive $0xFFFF  }
0x63: {  	[sflag:s0] =	ssyncadd.tile.s32 @!p0 $0x1;
	_ =	shalt  }
.Lfunc_end2:
_tile_overlayer_lowered:
.L_overlay_start_2:
0x64: {  	(tag) =	ssettag $0x2  }
0x65: {  	s0 =	rddreg [dreg:$0x0];
	s2 =	stileid.u32  }
0x66: {  	s1 =	rddreg [dreg:$0x1];
	p0 =	sne.s32 s2, $0x0  }
0x67: {  	s3 =	rddreg [dreg:$0x2];
	[bflag:$0x3] =	sbarrier.arrive $0xFFFF;
	s2 =	simm.s32 @!p0 $0x1C02  }
0x68: {  	[timem:s3], [sflag:s2] =	dma.local @!p0 [hbm:s0], s1  }
0x69: {  	s0 =	simm.s32 @!p0 $0x2  }
0x6a: {  	_ =	swait.ge @!p0 [sflag:s0], s1  }
0x6b: {  	s1 =	ssub.s32 @!p0 $0x0, s1;
	[sflag:s0] =	ssyncset.done @!p0 $0x0  }
0x6c: {  	[sflag:s0] =	ssyncadd.s32 @!p0 s1  }
0x6d: {  	[bflag:$0x3] =	sbarrier.arrive $0xFFFF  }
0x6e: {  	_ =	shalt  }

// kernel: kernel.16.cloned.1.call-start
scs
__scs_entry_jumppad:
0x0: {  	(pc) =	sbr.rel $0x88, $3  }
0x1: {  	(tag) =	ssettag $0x0;
	lr =	simm.s32 $0x1  }
0x2: {  	[smem:$0x3F97] =	sst lr;
	_ =	strace $0xD0000000  }
0x3: {  	_ = 	snop  }
0x4: {  	_ = 	snop  }
0x5: {  	_ = 	snop  }
0x6: {  	_ = 	snop  }
0x7: {  	_ = 	snop  }
__scs_overlays_trampoline_lowered:
0x8: {  	[smem:$0x3FA6] =	sst s0  }
0x9: {  	[smem:$0x3FA7] =	sst s1  }
0xa: {  	[smem:$0x3FA8] =	sst s2  }
0xb: {  	[smem:$0x3FA9] =	sst s3  }
0xc: {  	[smem:$0x3FAA] =	sst s4  }
0xd: {  	[smem:$0x3FAB] =	sst s5  }
0xe: {  	[smem:$0x3FAC] =	sst s6  }
0xf: {  	[smem:$0x3FAD] =	sst s7  }
0x10: {  	[smem:$0x3FAE] =	sst s8  }
0x11: {  	[smem:$0x3FAF] =	sst s9;
	s0 =	simm.s32 @!p0 $0x0  }
0x12: {  	s1 =	sld [smem:$0x3F95];
	s0 =	simm.s32 @p0 $0x1  }
0x13: {  	[smem:$0x3FB0] =	sst s0;
	s0 =	simm.s32 @!p1 $0x0  }
0x14: {  	s2 =	sld [smem:$0x3F94];
	s0 =	simm.s32 @p1 $0x1  }
0x15: {  	[smem:$0x3FB1] =	sst s0;
	s0 =	simm.s32 @!p2 $0x0  }
0x16: {  	s3 =	sld [smem:$0x3FDB];
	s0 =	simm.s32 @p2 $0x1  }
0x17: {  	s4 =	simm.s32 $0x1BF5;
	[smem:$0x3FB3] =	sst s0  }
0x18: {  	s0 =	sld [smem:$0x3F96];
	_ =	swait.ge [sflag:s4], $0x0  }
0x19: {  	s7 =	sld [smem:$0x3F97]  }
0x1a: {  	s8 =	sadd.s32 $0xFFFFE003, lr  }
0x1b: {  	s9 =	sadd.s32 $0xFFFFFEF7, lr;
	s5 =	simm.s32 $0xFFFFFFFF;
	p2 =	slt.u32 s8, $0xFFFFF086  }
0x1c: {  	p1 =	slt.u32 s9, $0xF7A;
	s5 =	simm.s32 @!p2 $0x0  }
0x1d: {  	s5 =	simm.s32 @p1 $0x1;
	p0 =	seq.s32 s7, s2  }
0x1e: {  	s7 =	smul.u32 @!p0 $0xF7A, s2;
	p2 =	seq.s32 @!p0 s5, $0x0  }
0x1f: {  	s9 =	smul.u32 $0xF7A, s1;
	s8 =	simm.s32 @!p0 $0x1BF5;
	p2 =	por !p2, p0  }
0x20: {  	[sflag:s8] =	ssyncset.s32 @!p0 $0xFFFFF086;
	s6 =	sadd.s32 @!p0 s3, s7;
	s7 =	simm.s32 @!p0 $0x108  }
0x21: {  	s3 =	sadd.s32 s3, s9;
	s6 =	sadd.s32 @!p0 $0x88, s6;
	s7 =	simm.s32 @p2 $0x1082  }
0x22: {  	[simem:s7], [sflag:s8] =	dma.local @!p0 [hbm:s6], $0xF7A  }
0x23: {  	s9 =	sor.u32 $0xD0000000, s2;
	s6 =	simm.s32 $0x108;
	_ =	swait.ge @!p0 [sflag:s8], $0x0  }
0x24: {  	s3 =	sadd.s32 $0x88, s3;
	s6 =	simm.s32 @!p1 $0x1082;
	[sflag:s4] =	ssyncset.s32 $0xFFFFF086  }
0x25: {  	[simem:s6], [sflag:s4] =	dma.local [hbm:s3], $0xF7A  }
0x26: {  	[smem:$0x3F97] =	sst s1;
	(tag) =	ssettag s2;
	_ =	strace s9  }
0x27: {  	s1 =	sld [smem:$0x3FA7]  }
0x28: {  	s2 =	sld [smem:$0x3FA8]  }
0x29: {  	s4 =	sld [smem:$0x3FAA]  }
0x2a: {  	p0 =	seq.s32 s5, $0x0;
	s5 =	sld [smem:$0x3FAB]  }
0x2b: {  	s6 =	sld [smem:$0x3FAC]  }
0x2c: {  	s7 =	sld [smem:$0x3FAD]  }
0x2d: {  	s3 =	simm.s32 $0x108;
	s8 =	sld [smem:$0x3FAE]  }
0x2e: {  	s3 =	simm.s32 @!p0 $0x1082;
	s9 =	sld [smem:$0x3FAF]  }
0x2f: {  	lr =	sadd.s32 s0, s3;
	s0 =	sld [smem:$0x3FA6]  }
0x30: {  	s3 =	sld [smem:$0x3FA9]  }
0x31: {  	[smem:$0x3FB2] =	sst s10  }
0x32: {  	s10 =	sld [smem:$0x3FB0];
	_ =	sdelay $0x3  }
0x33: {  	p0 =	seq.s32 s10, $0x1;
	s10 =	sld [smem:$0x3FB2];
	_ =	sdelay $0x3  }
0x34: {  	[smem:$0x3FB2] =	sst s10  }
0x35: {  	s10 =	sld [smem:$0x3FB1];
	_ =	sdelay $0x3  }
0x36: {  	p1 =	seq.s32 s10, $0x1;
	s10 =	sld [smem:$0x3FB2];
	_ =	sdelay $0x3  }
0x37: {  	[smem:$0x3FB2] =	sst s10  }
0x38: {  	s10 =	sld [smem:$0x3FB3]  }
0x39: {  	_ = 	snop;
	(pc) =	sbr.ind lr, $3  }
0x3a: {  	_ = 	snop  }
0x3b: {  	_ = 	snop  }
0x3c: {  	p2 =	seq.s32 s10, $0x1;
	s10 =	sld [smem:$0x3FB2]  }
0x3d: {  	_ =	shalt  }
0x3e: {  	_ =	shalt  }
0x3f: {  	_ =	shalt  }
0x40: {  	_ =	shalt  }
0x41: {  	_ =	shalt  }
0x42: {  	_ =	shalt  }
0x43: {  	_ =	shalt  }
0x44: {  	_ =	shalt  }
0x45: {  	_ =	shalt  }
0x46: {  	_ =	shalt  }
0x47: {  	_ =	shalt  }
0x48: {  	_ =	shalt  }
0x49: {  	_ =	shalt  }
0x4a: {  	_ =	shalt  }
0x4b: {  	_ =	shalt  }
0x4c: {  	_ =	shalt  }
0x4d: {  	_ =	shalt  }
0x4e: {  	_ =	shalt  }
0x4f: {  	_ =	shalt  }
0x50: {  	_ =	shalt  }
0x51: {  	_ =	shalt  }
0x52: {  	_ =	shalt  }
0x53: {  	_ =	shalt  }
0x54: {  	_ =	shalt  }
0x55: {  	_ =	shalt  }
0x56: {  	_ =	shalt  }
0x57: {  	_ =	shalt  }
0x58: {  	_ =	shalt  }
0x59: {  	_ =	shalt  }
0x5a: {  	_ =	shalt  }
0x5b: {  	_ =	shalt  }
0x5c: {  	_ =	shalt  }
0x5d: {  	_ =	shalt  }
0x5e: {  	_ =	shalt  }
0x5f: {  	_ =	shalt  }
0x60: {  	_ =	shalt  }
0x61: {  	_ =	shalt  }
0x62: {  	_ =	shalt  }
0x63: {  	_ =	shalt  }
0x64: {  	_ =	shalt  }
0x65: {  	_ =	shalt  }
0x66: {  	_ =	shalt  }
0x67: {  	_ =	shalt  }
0x68: {  	_ =	shalt  }
0x69: {  	_ =	shalt  }
0x6a: {  	_ =	shalt  }
0x6b: {  	_ =	shalt  }
0x6c: {  	_ =	shalt  }
0x6d: {  	_ =	shalt  }
0x6e: {  	_ =	shalt  }
0x6f: {  	_ =	shalt  }
0x70: {  	_ =	shalt  }
0x71: {  	_ =	shalt  }
0x72: {  	_ =	shalt  }
0x73: {  	_ =	shalt  }
0x74: {  	_ =	shalt  }
0x75: {  	_ =	shalt  }
0x76: {  	_ =	shalt  }
0x77: {  	_ =	shalt  }
0x78: {  	_ =	shalt  }
0x79: {  	_ =	shalt  }
0x7a: {  	_ =	shalt  }
0x7b: {  	_ =	shalt  }
0x7c: {  	_ =	shalt  }
0x7d: {  	_ =	shalt  }
0x7e: {  	_ =	shalt  }
0x7f: {  	_ =	shalt  }
0x80: {  	_ =	shalt  }
0x81: {  	_ =	shalt  }
0x82: {  	_ =	shalt  }
0x83: {  	_ =	shalt  }
0x84: {  	_ =	shalt  }
0x85: {  	_ =	shalt  }
0x86: {  	_ =	shalt  }
0x87: {  	_ =	shalt  }
.Lfunc_end0:
.L_simem_size_0:
called_computation.2_lowered:
.L_overlay_start_0:
0x88: {  	s2 =	sld [smem:$0x3FD9]  }
0x89: {  	s3 =	sld [smem:$0x3FFE];
	_ =	sdelay $0x1  }
0x8a: {  	s1 =	srdreg.scid  }
0x8b: {  	s0 =	sand.u32 $0x1, s1  }
0x8c: {  	s16 =	sshll.u32 s0, $0xA;
	s2 =	sadd.s32 s3, s2  }
0x8d: {  	s2 =	sadd.s32 s2, s16  }
0x8e: {  	[smem:$0x3FBE] =	sst s2  }
0x8f: {  	_ = 	snop  }
0x90: {  	(tm) =	ssettm $0x1  }
0x91: {  	s17 =	sld [smem:$0x3FFB];
	_ =	sdelay $0x3  }
0x92: {  	_ =	strace s17  }
0x93: {  	s2 =	sld [smem:$0x3FFC];
	_ =	sdelay $0x3  }
0x94: {  	_ =	strace s2  }
0x95: {  	s2 =	sld [smem:$0x3FFD];
	_ =	sdelay $0x3  }
0x96: {  	_ =	strace s2  }
0x97: {  	_ =	strace $0x8FFFFFFF  }
0x98: {  	s18 =	sld [smem:$0x3FDB];
	_ =	sdelay $0x1  }
0x99: {  	s19 =	simm.s32 $_scs_section_size  }
0x9a: {  	s4 =	simm.s32 $_size__tile_overlayer_lowered;
	s5 =	simm.s32 $_tile_overlayer_lowered  }
0x9b: {  	s22 =	simm.s32 $0x1BFF;
	s21 =	sshll.u32 s5, $0x1;
	s2 =	sadd.s32 s19, s18  }
0x9c: {  	s6 =	simm.s32 $0x0;
	s20 =	sshll.u32 s4, $0x1;
	s4 =	sadd.s32 s21, s2  }
0x9d: {  	[timem:s6], [sflag:s22] =	dma.local [hbm:s4], s20  }
0x9e: {  	_ =	swait.ge [sflag:s22], s20  }
0x9f: {  	s3 =	ssub.s32 $0x0, s20;
	[sflag:s22] =	ssyncset.done $0x0  }
0xa0: {  	[sflag:s22] =	ssyncadd.s32 s3;
	_ =	sdelay $0x1  }
0xa1: {  	s23 =	simm.s32 $0x1B8B  }
0xa2: {  	_ =	swait.ge [sflag:s23], $0x1  }
0xa3: {  	[sflag:s23] =	ssyncset.done $0x0  }
0xa4: {  	s25 =	simm.s32 $0x1B8E;
	s24 =	sld [smem:$0x3FFE];
	[sflag:s23] =	ssyncadd.s32 $0xFFFFFFFF  }
0xa5: {  	s26 =	simm.s32 $execute0_lowered;
	[smem:$0x3FD2] =	sst s25  }
0xa6: {  	s4 =	sshll.u32 s26, $0x1;
	_ =	strace $0x8000004C;
	[dreg:$0x1] =	wrdreg $0xFFFFFFFF  }
0xa7: {  	s28 =	simm.s32 $_size_execute0_lowered;
	s2 =	sadd.s32 s2, s4;
	[dreg:$0x0] =	wrdreg $0x0  }
0xa8: {  	s4 =	sshll.u32 s28, $0x1;
	[dreg:$0x2] =	wrdreg s2  }
0xa9: {  	[dreg:$0x3] =	wrdreg s4  }
0xaa: {  	[dreg:$0x4] =	wrdreg $0xC0  }
0xab: {  	_ =	task [dreg:s6], $0x5FFFF  }
0xac: {  	[dreg:$0x1] =	wrdreg $0xFFFFFFFF  }
0xad: {  	[dreg:$0x0] =	wrdreg $0x60  }
0xae: {  	[dreg:$0x2] =	wrdreg s24  }
0xaf: {  	[dreg:$0x3] =	wrdreg $0xB7800  }
0xb0: {  	[dreg:$0x4] =	wrdreg $0x9  }
0xb1: {  	_ =	task.clear_ibuf [dreg:s6], $0x5FFFF;
	_ =	strace $0x9000004C  }
0xb2: {  	s29 =	simm.s32 $0x9;
	_ =	strace $0x8000004E  }
0xb3: {  	_ =	swait.ge [sflag:s29], $0x1  }
0xb4: {  	[sflag:s29] =	ssyncadd.s32 $0xFFFFFFFF  }
0xb5: {  	_ =	strace $0x9000004E  }
0xb6: {  	_ =	sfence  }
0xb7: {  	s30 =	sld [smem:$0x0];
	_ =	sdelay $0x2  }
0xb8: {  	s31 =	sshll.u32 s1, $0xD;
	s1 =	sshrl.u32 s1, $0x2  }
0xb9: {  	s3 =	sand.u32 $0x4000, s31;
	s1 =	sadd.s32 s1, s30  }
0xba: {  	s0 =	sor.u32 s3, s0;
	s1 =	sshll.u32 s1, $0x11  }
0xbb: {  	s0 =	sor.u32 s1, s0  }
0xbc: {  	s0 =	sadd.s32 $0x8F2B, s0  }
0xbd: {  	[sflag:s0] =	ssyncadd.remote.s32 $0x1  }
0xbe: {  	_ =	sfence.sel $0xFFFF  }
0xbf: {  	[dreg:$0x0] =	wrdreg $0xFFFFFFFF;
	(pc) =	sbr.abs _section_cstart, $3  }
0xc0: {  	[dreg:$0x1] =	wrdreg $0xFFFFFFFF  }
0xc1: {  	_ =	task.clear_ibuf [dreg:s6], $0x2FFFF;
	_ =	strace $0x9FFFFFFF  }
0xc2: {  	(tm) =	ssettm $0x7FFFFFFF  }
0xc3: {  	_ =	shalt  }
tec
execute0_lowered:
.L_overlay_start_1:
0x0: {  	(tag) =	ssettag $0x1  }
0x1: {  	s5 =	rddreg [dreg:$0x0];
	s1 =	srdreg.scid  }
0x2: {  	s0 =	stileid.u32;
	s2 =	rddreg [dreg:$0x1];
	s3 =	simm.s32 $0x0  }
0x3: {  	s14 =	simm.s32 $0x1;
	s15 =	simm.s32 $0x50;
	s16 =	simm.s32 $0x6580  }
0x4: {  	s6 =	sand.u32 $0x1, s1;
	s4 =	sshll.u32 s0, $0x1;
	s1 =	rddreg [dreg:$0x2]  }
0x5: {  	[smem:$0x7FF] =	sst s3;
	s28 =	smul.u32 $0x4E000, s0;
	s10 =	sadd.s32 $0x6B400, s5  }
0x6: {  	s12 =	smul.u32 $0x13800, s0;
	p0 =	sne.s32 s0, $0xF;
	_ =	strace $0x8000004D  }
0x7: {  	s7 =	sor.u32 s6, s4;
	s4 =	sadd.s32 $0x1D000, s5;
	s11 =	smul.u32 $0x138800, s6  }
0x8: {  	s29 =	ssub.s32 $0x2, s6;
	s8 =	smul.u32 $0x4E2, s7;
	s7 =	sshll.u32 s7, $0xB  }
0x9: {  	s6 =	sadd.s32 $0x138000, s2;
	s30 =	sshrl.u32 s29, $0x1;
	s9 =	sadd.s32 s7, s5  }
0xa: {  	s7 =	sshrl.u32 s28, $0x2;
	s13 =	ssub.s32 s29, s30;
	s12 =	sadd.s32 s12, s11  }
0xb: {  	s11 =	sshrl.u32 s11, $0x3;
	s8 =	sadd.s32 s8, s5;
	s5 =	sadd.s32 s7, s2  }
0xc: {  	s31 =	sshrl.u32 s12, $0x3;
	s11 =	sadd.s32 s10, s11;
	s12 =	simm.s32 $0x6780  }
0xd: {  	s7 =	sadd.s32 $0x3200, s8;
	s8 =	sadd.s32 $0xD000, s9;
	s9 =	sadd.s32 s10, s31  }
0xe: {  	v0 =	vimm.f32 $0.0e+00;
	s10 =	sadd.s32 $0x27000, s11;
	s11 =	smax.u32 s13, $0x1;
	s13 =	simm.s32 $0x2  }
.LBB2_1:
0xf: {  	s17 =	simm.s32 $0x0;
	s18 =	simm.s32 $0x0  }
.LBB2_2:
0x10: {  	p1 =	sne.s32 s18, $0x1FC0  }
.Ltmp0:
0x11: {  	_ = 	snop;
	(pc) =	sbr.rel @p1 .LBB2_2-.Ltmp0, $4  }
0x12: {  	s19 =	sand.u32 $0x1E00, s18  }
0x13: {  	s20 =	sand.u32 $0x70, s17;
	s19 =	sshrl.u32 s19, $0x2  }
0x14: {  	s19 =	sor.u32 s20, s19  }
0x15: {  	s17 =	sadd.s32 $0x10, s17;
	s18 =	sadd.s32 $0x40, s18;
	[tilespmem:s19+$0x6780] =	vst v0  }
0x16: {  	s17 =	sadd.s32 $0x0, s5  }
0x17: {  	[spmem:s17] =	stream.linear.scatter [tilespmem:s12], [sflag:$0x2], $0x800, $0x38;
	[tilespmem:$0x1F000] =	vst v63  }
0x18: {  	s17 =	simm.s32 $0x2000;
	_ =	swait.ge [sflag:s13], $0x800  }
.LBB2_4:
0x19: {  	s18 =	sshra.s32 s17, $0x2;
	[sflag:s13] =	ssyncset.done $0x0;
	p1 =	sne.s32 s17, $0x4C000  }
.Ltmp1:
0x1a: {  	s18 =	sadd.s32 s18, s5;
	[sflag:s13] =	ssyncadd.s32 $0xFFFFF800;
	(pc) =	sbr.rel @p1 .LBB2_4-.Ltmp1, $3  }
0x1b: {  	[spmem:s18] =	stream.linear.scatter [tilespmem:s12], [sflag:$0x2], $0x800, $0x38;
	[tilespmem:$0x1F000] =	vst v63  }
0x1c: {  	s17 =	sadd.s32 $0x2000, s17;
	_ =	sdelay $0x1  }
0x1d: {  	_ =	swait.ge [sflag:s13], $0x800  }
0x1e: {  	[sflag:s13] =	ssyncset.done $0x0  }
0x1f: {  	s17 =	simm.s32 @!p0 $0x6780;
	[sflag:s13] =	ssyncadd.s32 $0xFFFFF800  }
0x20: {  	[spmem:s6] =	stream.linear.scatter @!p0 [tilespmem:s17], [sflag:$0x2], $0x800, $0x38;
	[tilespmem:$0x1F000] =	vst v63  }
0x21: {  	s17 =	simm.s32 @!p0 $0x2  }
0x22: {  	_ =	swait.ge @!p0 [sflag:s17], $0x800  }
0x23: {  	[sflag:s17] =	ssyncset.done @!p0 $0x0  }
0x24: {  	s30 =	simm.s32 $0x0;
	[sflag:s17] =	ssyncadd.s32 @!p0 $0xFFFFF800  }
0x25: {  	[tilespmem:s30], [sflag:$0x2] =	stream.linear.gather [hbm4b:s7+s30], $0x2710, $0x38;
	[tilespmem:$0x1F000] =	vst v63  }
0x26: {  	_ =	swait.ge [sflag:s13], $0x2710  }
0x27: {  	[sflag:s13] =	ssyncset.done $0x0  }
0x28: {  	s18 =	simm.s32 $0x2780;
	[sflag:s13] =	ssyncadd.s32 $0xFFFFD8F0  }
0x29: {  	[tilespmem:s18], [sflag:$0x2] =	stream.linear.gather [hbm4b:s8+s30], $0x3E80, $0x38;
	[tilespmem:$0x1F000] =	vst v63  }
0x2a: {  	_ =	swait.ge [sflag:s13], $0x3E80  }
0x2b: {  	s17 =	sand.u32 $0x1, s30;
	[sflag:s13] =	ssyncset.done $0x0  }
0x2c: {  	s20 =	sxor.u32 $0x1, s17;
	[sflag:s13] =	ssyncadd.s32 $0xFFFFC180  }
0x2d: {  	s19 =	simm.s32 $0x50;
	s20 =	smul.u32 $0xA000, s20;
	[bflag:$0x0] =	sbarrier.arrive $0xFFFF  }
0x2e: {  	[tilespmem:s12], [sflag:$0x1] =	stream.indirect.gather [hbm4b:s4+s19], $0x80, s30, s19, $0xb8;
	[tilespmem:$0x1F000] =	vst v63  }
0x2f: {  	s17 =	smul.u32 $0xA000, s17;
	_ =	swait.ge [sflag:s14], $0x2800  }
0x30: {  	s31 =	simm.s32 $0x1;
	s20 =	sshrl.u32 s20, $0x2;
	[sflag:s14] =	ssyncset.done $0x0  }
0x31: {  	s17 =	sshrl.u32 s17, $0x2;
	s20 =	sadd.s32 $0x6780, s20;
	[sflag:s14] =	ssyncadd.s32 $0xFFFFD800  }
0x32: {  	[tilespmem:s20], [sflag:$0x1] =	stream.indirect.gather [hbm4b:s4+s15], $0x80, s19, s15, $0xb8;
	[tilespmem:$0x1F000] =	vst v63  }
0x33: {  	s17 =	sadd.s32 $0x6780, s17;
	s20 =	simm.s32 $0x2;
	s19 =	sand.u32 $0x1, s31  }
0x34: {  	[spmem:s2] =	stream.indirect.scatter.add.f32 [tilespmem:s17], [sflag:$0x2], $0x80, s18, s15, $0xb8;
	[tilespmem:$0x1F000] =	vst v63  }
0x35: {  	s17 =	simm.s32 $0xA0;
	s18 =	simm.s32 $0x2800;
	_ =	swait.ge [sflag:s13], $0x2800  }
.LBB2_6:
0x36: {  	s21 =	sxor.u32 $0x1, s19  }
0x37: {  	[sflag:s13] =	ssyncset.done $0x0;
	s22 =	smov.u32 s20;
	s23 =	sadd.s32 $0x1, s20  }
0x38: {  	p1 =	sne.s32 s20, $0x7B;
	s20 =	smul.u32 $0xA000, s21;
	[sflag:s13] =	ssyncadd.s32 $0xFFFFD800  }
0x39: {  	_ =	swait.ge [sflag:s14], $0x2800  }
0x3a: {  	s19 =	smul.u32 $0xA000, s19;
	[sflag:s14] =	ssyncset.done $0x0;
	s20 =	sshrl.u32 s20, $0x2  }
0x3b: {  	[sflag:s14] =	ssyncadd.s32 $0xFFFFD800;
	s20 =	sadd.s32 $0x6780, s20  }
0x3c: {  	[tilespmem:s20], [sflag:$0x1] =	stream.indirect.gather [hbm4b:s4+s15], $0x80, s17, s15, $0xb8;
	[tilespmem:$0x1F000] =	vst v63  }
.Ltmp2:
0x3d: {  	_ = 	snop;
	(pc) =	sbr.rel @p1 .LBB2_6-.Ltmp2, $4  }
0x3e: {  	s19 =	sshrl.u32 s19, $0x2  }
0x3f: {  	s19 =	sadd.s32 $0x6780, s19;
	s17 =	sadd.s32 $0x50, s17;
	s20 =	smov.u32 s23  }
0x40: {  	[spmem:s2] =	stream.indirect.scatter.add.f32 [tilespmem:s19], [sflag:$0x2], $0x80, s18, s15, $0xb8;
	[tilespmem:$0x1F000] =	vst v63  }
0x41: {  	s19 =	sand.u32 $0x1, s22;
	s18 =	sadd.s32 $0x80, s18;
	_ =	swait.ge [sflag:s13], $0x2800  }
0x42: {  	s20 =	sxor.u32 $0x1, s19;
	[sflag:s13] =	ssyncset.done $0x0  }
0x43: {  	s20 =	smul.u32 $0xA000, s20;
	[sflag:s13] =	ssyncadd.s32 $0xFFFFD800  }
0x44: {  	s28 =	smul.u32 $0xA000, s19;
	_ =	swait.ge [sflag:s14], $0x2800  }
0x45: {  	[sflag:s14] =	ssyncset.done $0x0;
	s20 =	sshrl.u32 s20, $0x2  }
0x46: {  	s29 =	sshrl.u32 s28, $0x2;
	[sflag:s14] =	ssyncadd.s32 $0xFFFFD800;
	s20 =	sadd.s32 $0x6780, s20  }
0x47: {  	[tilespmem:s20], [sflag:$0x1] =	stream.indirect.gather [hbm4b:s4+s15], $0x80, s17, s15, $0xb8;
	[tilespmem:$0x1F000] =	vst v63  }
0x48: {  	s17 =	sadd.s32 $0x6780, s29  }
0x49: {  	[spmem:s2] =	stream.indirect.scatter.add.f32 [tilespmem:s17], [sflag:$0x2], $0x80, s18, s15, $0xb8;
	[tilespmem:$0x1F000] =	vst v63  }
0x4a: {  	_ =	swait.ge [sflag:s13], $0x2800  }
0x4b: {  	[sflag:s13] =	ssyncset.done $0x0  }
0x4c: {  	[sflag:s13] =	ssyncadd.s32 $0xFFFFD800  }
0x4d: {  	_ =	swait.ge [sflag:s14], $0x2800  }
0x4e: {  	[sflag:s14] =	ssyncset.done $0x0  }
0x4f: {  	[sflag:s14] =	ssyncadd.s32 $0xFFFFD800  }
0x50: {  	[spmem:s2] =	stream.indirect.scatter.add.f32 [tilespmem:s12], [sflag:$0x2], $0x80, s16, s15, $0xb8;
	[tilespmem:$0x1F000] =	vst v63  }
0x51: {  	_ =	swait.ge [sflag:s13], $0x2800  }
0x52: {  	[sflag:s13] =	ssyncset.done $0x0  }
0x53: {  	s30 =	sshll.u32 s0, $0x6;
	[sflag:s13] =	ssyncadd.s32 $0xFFFFD800  }
0x54: {  	s31 =	sshrl.u32 s5, $0x3;
	s17 =	sor.u32 $0x1C02, s30;
	[bflag:$0x0] =	sbarrier.arrive $0xFFFF  }
0x55: {  	[hbm:s9], [sflag:s17] =	dma.local [spmem:s31], $0x2700  }
0x56: {  	_ =	swait.ge [sflag:s13], $0x2700  }
0x57: {  	s3 =	sadd.s32 $0x1, s3;
	[sflag:s13] =	ssyncset.done $0x0  }
0x58: {  	p1 =	sne.s32 s3, s11;
	s18 =	sshrl.u32 @!p0 s6, $0x3;
	[sflag:s13] =	ssyncadd.s32 $0xFFFFD900  }
0x59: {  	[hbm:s10], [sflag:s17] =	dma.local @!p0 [spmem:s18], $0x100  }
.Ltmp3:
0x5a: {  	_ = 	snop;
	(pc) =	sbr.rel @p1 .LBB2_1-.Ltmp3, $4  }
0x5b: {  	s17 =	simm.s32 @!p0 $0x2  }
0x5c: {  	_ =	swait.ge @!p0 [sflag:s17], $0x100  }
0x5d: {  	[sflag:s17] =	ssyncset.done @!p0 $0x0  }
0x5e: {  	[sflag:s17] =	ssyncadd.s32 @!p0 $0xFFFFFF00  }
0x5f: {  	_ =	sfence.sel $0x180000  }
0x60: {  	[bflag:$0x0] =	sbarrier.arrive $0xFFFF  }
0x61: {  	p0 =	sne.s32 s0, $0x0;
	_ =	strace $0x9000004D  }
0x62: {  	s0 =	sadd.s32 @!p0 $0x100000, s1;
	[bflag:$0x2] =	sbarrier.arrive $0xFFFF  }
0x63: {  	[sflag:s0] =	ssyncadd.tile.s32 @!p0 $0x1;
	_ =	shalt  }
.Lfunc_end2:
_tile_overlayer_lowered:
.L_overlay_start_2:
0x64: {  	(tag) =	ssettag $0x2  }
0x65: {  	s0 =	rddreg [dreg:$0x0];
	s2 =	stileid.u32  }
0x66: {  	s1 =	rddreg [dreg:$0x1];
	p0 =	sne.s32 s2, $0x0  }
0x67: {  	s3 =	rddreg [dreg:$0x2];
	[bflag:$0x3] =	sbarrier.arrive $0xFFFF;
	s2 =	simm.s32 @!p0 $0x1C02  }
0x68: {  	[timem:s3], [sflag:s2] =	dma.local @!p0 [hbm:s0], s1  }
0x69: {  	s0 =	simm.s32 @!p0 $0x2  }
0x6a: {  	_ =	swait.ge @!p0 [sflag:s0], s1  }
0x6b: {  	s1 =	ssub.s32 @!p0 $0x0, s1;
	[sflag:s0] =	ssyncset.done @!p0 $0x0  }
0x6c: {  	[sflag:s0] =	ssyncadd.s32 @!p0 s1  }
0x6d: {  	[bflag:$0x3] =	sbarrier.arrive $0xFFFF  }
0x6e: {  	_ =	shalt  }

</sc_bundles>
